<compile_context>
chip_gen: v7x
topology: tpu7x:2x2x1
jax: 0.10.2.dev20260603
libtpu: 0.0.44.dev20260713+nightly
codegen_flags: <defaults>
</compile_context>

<pallas_src>
import jax
import jax.numpy as jnp
from jax import lax
from jax.experimental import pallas as pl
from jax.experimental.pallas import tpu as pltpu
from jax.experimental.pallas import tpu_sc as plsc

D = 1500
DP2 = 2048
W_IN = 2 * D
W_OUT = 2 * DP2
N = 16384

NUM_WORKERS = 32
ROWS_PER_W = N // NUM_WORKERS
BLK = 8
NBLK = ROWS_PER_W // BLK
LANES = 16
FULLSTEPS = W_IN // LANES
TAIL = W_IN - FULLSTEPS * LANES


def _sc_body(x_hbm, s_hbm, out_hbm,
             s_v, in0, in1, ob0, ob1, si0, si1, so0, so1):
    wid = lax.axis_index("s") * 2 + lax.axis_index("c")
    base = wid * ROWS_PER_W
    ins, obs, sis, sos = (in0, in1), (ob0, ob1), (si0, si1), (so0, so1)

    pltpu.sync_copy(s_hbm, s_v)

    pltpu.async_copy(x_hbm.at[pl.ds(base, BLK)], in0, si0)
    pltpu.async_copy(x_hbm.at[pl.ds(base + BLK, BLK)], in1, si1)

    zv = jnp.zeros((LANES,), jnp.float32)

    @plsc.parallel_loop(0, W_OUT // LANES, unroll=4)
    def _zero(j):
        for r in range(BLK):
            ob0[r, pl.ds(j * LANES, LANES)] = zv
            ob1[r, pl.ds(j * LANES, LANES)] = zv

    rvs = [jnp.full((LANES,), r, jnp.int32) for r in range(BLK)]
    tailmask = lax.iota(jnp.int32, LANES) >= (LANES - TAIL)

    def compute(inb, ob):
        @plsc.parallel_loop(0, FULLSTEPS, unroll=4)
        def _scatter(j):
            sv = s_v[pl.ds(j * LANES, LANES)]
            for r in range(BLK):
                vals = inb[r, pl.ds(j * LANES, LANES)]
                plsc.store_scatter(ob, [rvs[r], sv], vals)
        sv = s_v[pl.ds(W_IN - LANES, LANES)]
        for r in range(BLK):
            vals = inb[r, pl.ds(W_IN - LANES, LANES)]
            plsc.store_scatter(ob, [rvs[r], sv], vals, mask=tailmask)

    def pair(t, c):
        for p in range(2):
            b = t * 2 + p
            rowbase = base + b * BLK
            pltpu.make_async_copy(x_hbm.at[pl.ds(0, BLK)], ins[p],
                                  sis[p]).wait()

            @pl.when(t > 0)
            def _wait_out():
                pltpu.make_async_copy(obs[p], out_hbm.at[pl.ds(0, BLK)],
                                      sos[p]).wait()

            compute(ins[p], obs[p])
            pltpu.async_copy(obs[p], out_hbm.at[pl.ds(rowbase, BLK)], sos[p])

            @pl.when(b + 2 < NBLK)
            def _next_in():
                pltpu.async_copy(x_hbm.at[pl.ds(rowbase + 2 * BLK, BLK)],
                                 ins[p], sis[p])
        return c

    lax.fori_loop(0, NBLK // 2, pair, 0)
    pltpu.make_async_copy(ob0, out_hbm.at[pl.ds(0, BLK)], so0).wait()
    pltpu.make_async_copy(ob1, out_hbm.at[pl.ds(0, BLK)], so1).wait()


@jax.jit
def kernel(X, idx):
    s = jnp.concatenate([idx, idx + DP2])
    run = pl.kernel(
        _sc_body,
        out_type=jax.ShapeDtypeStruct((N, W_OUT), jnp.float32),
        mesh=plsc.VectorSubcoreMesh(core_axis_name="c", subcore_axis_name="s"),
        compiler_params=pltpu.CompilerParams(needs_layout_passes=False),
        scratch_types=[
            pltpu.VMEM((W_IN,), jnp.int32),
            pltpu.VMEM((BLK, W_IN), jnp.float32),
            pltpu.VMEM((BLK, W_IN), jnp.float32),
            pltpu.VMEM((BLK, W_OUT), jnp.float32),
            pltpu.VMEM((BLK, W_OUT), jnp.float32),
            pltpu.SemaphoreType.DMA,
            pltpu.SemaphoreType.DMA,
            pltpu.SemaphoreType.DMA,
            pltpu.SemaphoreType.DMA,
        ],
    )
    return run(X, s)

# --- scband reference (transcript-rebuilt; emitter-appended) ---
"""Pipeline reference for scband-fftshaper-46024869544014 (READ-ONLY COPY).

The authoritative reference and input builder live on the scoring server;
editing this copy changes nothing except your own understanding.
"""

import jax, jax.numpy as jnp
import numpy as np

D = 1500
D_POW_2 = 2048  # 2 ** ceil(log2(D))
N = 16384


def setup_inputs(seed: int = 0) -> dict:
    key = jax.random.key(seed)
    X = jax.random.normal(key, (N, 2 * D), dtype=jnp.float32)
    # idx is a fixed (non-trainable) permutation parameter of the module
    rng = np.random.default_rng(0)
    idx = jnp.asarray(rng.permutation(D_POW_2)[:D], dtype=jnp.int32)
    return {"X": X, "idx": idx}


def reference(X, idx):
    # dir == 'in': scatter-overwrite the two halves of X into a zero buffer
    # of width 2 * D_POW_2 at permuted column positions.
    Nrows = X.shape[0]
    out = jnp.zeros((Nrows, D_POW_2 * 2), dtype=X.dtype)
    out = out.at[:, idx].set(X[:, :D])
    out = out.at[:, idx + D_POW_2].set(X[:, D:])
    return out

if __name__ == "__main__":
    import jax
    _d = setup_inputs()
    print(jax.jit(kernel)(*tuple(_d.values())))

</pallas_src>

<mosaic_0001>
#map = affine_map<(d0, d1) -> (0, 0)>
#map1 = affine_map<(d0, d1) -> (0)>
module attributes {stable_mosaic.version = 14 : i64} {
  func.func @_sc_body(%arg0: i32, %arg1: i32, %arg2: memref<16384x3000xf32, #tpu.memory_space<hbm>>, %arg3: memref<3000xi32, #tpu.memory_space<hbm>>, %arg4: memref<16384x4096xf32, #tpu.memory_space<hbm>>, %arg5: memref<3000xi32, #tpu.memory_space<vmem>>, %arg6: memref<8x3000xf32, #tpu.memory_space<vmem>>, %arg7: memref<8x3000xf32, #tpu.memory_space<vmem>>, %arg8: memref<8x4096xf32, #tpu.memory_space<vmem>>, %arg9: memref<8x4096xf32, #tpu.memory_space<vmem>>, %arg10: memref<!tpu.dma_semaphore, #tpu.memory_space<semaphore_mem>>, %arg11: memref<!tpu.dma_semaphore, #tpu.memory_space<semaphore_mem>>, %arg12: memref<!tpu.dma_semaphore, #tpu.memory_space<semaphore_mem>>, %arg13: memref<!tpu.dma_semaphore, #tpu.memory_space<semaphore_mem>>) attributes {dimension_semantics = [#tpu.dimension_semantics<core_parallel>, #tpu.dimension_semantics<subcore_parallel>], iteration_bounds = array<i64: 2, 16>, scalar_prefetch = 0 : i64, scratch_operands = 9 : i64, tpu.core_type = #tpu.core_type<sc_vector_subcore>, window_params = [{transform_indices = #map}, {transform_indices = #map1}, {transform_indices = #map}]} {
    %mul3A = arith.constant 2 : i32
    %mul3A_0 = arith.muli %arg1, %mul3A : i32
    %add3A = arith.addi %mul3A_0, %arg0 : i32
    %mul3A_1 = arith.constant 512 : i32
    %mul3A_2 = arith.muli %add3A, %mul3A_1 : i32
    "tpu.region"() ({
      %run_scoped3A = tpu.sem_alloc : memref<!tpu.dma_semaphore, #tpu.memory_space<semaphore_mem>>
      tpu.enqueue_dma source(%arg3 : memref<3000xi32, #tpu.memory_space<hbm>>) target(%arg5 : memref<3000xi32, #tpu.memory_space<vmem>>) target_semaphore(%run_scoped3A : memref<!tpu.dma_semaphore, #tpu.memory_space<semaphore_mem>>)
      tpu.wait_dma2 semaphore(%run_scoped3A : memref<!tpu.dma_semaphore, #tpu.memory_space<semaphore_mem>>) src(%arg3 : memref<3000xi32, #tpu.memory_space<hbm>>) dst(%arg5 : memref<3000xi32, #tpu.memory_space<vmem>>)
      tpu.yield
    }) : () -> ()
    %dma_start3A = arith.constant 0 : i32
    %dma_start3A_3 = tpu.memref_slice %arg2[%mul3A_2, %dma_start3A] : memref<16384x3000xf32, #tpu.memory_space<hbm>> -> memref<8x3000xf32, #tpu.memory_space<hbm>>
    %dma_start3A_4 = arith.constant 0 : i32
    %dma_start3A_5 = tpu.memref_slice %arg2[%mul3A_2, %dma_start3A_4] : memref<16384x3000xf32, #tpu.memory_space<hbm>> -> memref<8x3000xf32, #tpu.memory_space<hbm>>
    tpu.enqueue_dma source(%dma_start3A_5 : memref<8x3000xf32, #tpu.memory_space<hbm>>) target(%arg6 : memref<8x3000xf32, #tpu.memory_space<vmem>>) target_semaphore(%arg10 : memref<!tpu.dma_semaphore, #tpu.memory_space<semaphore_mem>>)
    %add3A_6 = arith.constant 8 : i32
    %add3A_7 = arith.addi %mul3A_2, %add3A_6 : i32
    %dma_start3A_8 = arith.constant 0 : i32
    %dma_start3A_9 = tpu.memref_slice %arg2[%add3A_7, %dma_start3A_8] : memref<16384x3000xf32, #tpu.memory_space<hbm>> -> memref<8x3000xf32, #tpu.memory_space<hbm>>
    %dma_start3A_10 = arith.constant 0 : i32
    %dma_start3A_11 = tpu.memref_slice %arg2[%add3A_7, %dma_start3A_10] : memref<16384x3000xf32, #tpu.memory_space<hbm>> -> memref<8x3000xf32, #tpu.memory_space<hbm>>
    tpu.enqueue_dma source(%dma_start3A_11 : memref<8x3000xf32, #tpu.memory_space<hbm>>) target(%arg7 : memref<8x3000xf32, #tpu.memory_space<vmem>>) target_semaphore(%arg11 : memref<!tpu.dma_semaphore, #tpu.memory_space<semaphore_mem>>)
    %broadcast_in_dim3A = arith.constant 0.000000e+00 : f32
    %broadcast_in_dim3A_12 = vector.broadcast %broadcast_in_dim3A : f32 to vector<16xf32>
    %parallel_loop3A = arith.constant 0 : i32
    %parallel_loop3A_13 = arith.constant 256 : i32
    %parallel_loop3A_14 = arith.constant 1 : i32
    scf.for %parallel_loop3A_49 = %parallel_loop3A to %parallel_loop3A_13 step %parallel_loop3A_14  : i32 {
      %parallel_loop3A_50 = arith.constant 16 : i32
      %parallel_loop3A_51 = arith.muli %parallel_loop3A_49, %parallel_loop3A_50 : i32
      %parallel_loop3A_52 = arith.constant 0 : i32
      %parallel_loop3A_53 = arith.index_cast %parallel_loop3A_52 : i32 to index
      %parallel_loop3A_54 = arith.index_cast %parallel_loop3A_51 : i32 to index
      %parallel_loop3A_55 = tpu.vector_load %arg8[%parallel_loop3A_53, %parallel_loop3A_54] {strides = array<i32>} : memref<8x4096xf32, #tpu.memory_space<vmem>>, vector<16xf32>,
      tpu.vector_store %arg8[%parallel_loop3A_53, %parallel_loop3A_54], %broadcast_in_dim3A_12 {strides = array<i32>} : memref<8x4096xf32, #tpu.memory_space<vmem>>, vector<16xf32>,
      %parallel_loop3A_56 = arith.constant 16 : i32
      %parallel_loop3A_57 = arith.muli %parallel_loop3A_49, %parallel_loop3A_56 : i32
      %parallel_loop3A_58 = arith.constant 0 : i32
      %parallel_loop3A_59 = arith.index_cast %parallel_loop3A_58 : i32 to index
      %parallel_loop3A_60 = arith.index_cast %parallel_loop3A_57 : i32 to index
      %parallel_loop3A_61 = tpu.vector_load %arg9[%parallel_loop3A_59, %parallel_loop3A_60] {strides = array<i32>} : memref<8x4096xf32, #tpu.memory_space<vmem>>, vector<16xf32>,
      tpu.vector_store %arg9[%parallel_loop3A_59, %parallel_loop3A_60], %broadcast_in_dim3A_12 {strides = array<i32>} : memref<8x4096xf32, #tpu.memory_space<vmem>>, vector<16xf32>,
      %parallel_loop3A_62 = arith.constant 16 : i32
      %parallel_loop3A_63 = arith.muli %parallel_loop3A_49, %parallel_loop3A_62 : i32
      %parallel_loop3A_64 = arith.constant 1 : i32
      %parallel_loop3A_65 = arith.index_cast %parallel_loop3A_64 : i32 to index
      %parallel_loop3A_66 = arith.index_cast %parallel_loop3A_63 : i32 to index
      %parallel_loop3A_67 = tpu.vector_load %arg8[%parallel_loop3A_65, %parallel_loop3A_66] {strides = array<i32>} : memref<8x4096xf32, #tpu.memory_space<vmem>>, vector<16xf32>,
      tpu.vector_store %arg8[%parallel_loop3A_65, %parallel_loop3A_66], %broadcast_in_dim3A_12 {strides = array<i32>} : memref<8x4096xf32, #tpu.memory_space<vmem>>, vector<16xf32>,
      %parallel_loop3A_68 = arith.constant 16 : i32
      %parallel_loop3A_69 = arith.muli %parallel_loop3A_49, %parallel_loop3A_68 : i32
      %parallel_loop3A_70 = arith.constant 1 : i32
      %parallel_loop3A_71 = arith.index_cast %parallel_loop3A_70 : i32 to index
      %parallel_loop3A_72 = arith.index_cast %parallel_loop3A_69 : i32 to index
      %parallel_loop3A_73 = tpu.vector_load %arg9[%parallel_loop3A_71, %parallel_loop3A_72] {strides = array<i32>} : memref<8x4096xf32, #tpu.memory_space<vmem>>, vector<16xf32>,
      tpu.vector_store %arg9[%parallel_loop3A_71, %parallel_loop3A_72], %broadcast_in_dim3A_12 {strides = array<i32>} : memref<8x4096xf32, #tpu.memory_space<vmem>>, vector<16xf32>,
      %parallel_loop3A_74 = arith.constant 16 : i32
      %parallel_loop3A_75 = arith.muli %parallel_loop3A_49, %parallel_loop3A_74 : i32
      %parallel_loop3A_76 = arith.constant 2 : i32
      %parallel_loop3A_77 = arith.index_cast %parallel_loop3A_76 : i32 to index
      %parallel_loop3A_78 = arith.index_cast %parallel_loop3A_75 : i32 to index
      %parallel_loop3A_79 = tpu.vector_load %arg8[%parallel_loop3A_77, %parallel_loop3A_78] {strides = array<i32>} : memref<8x4096xf32, #tpu.memory_space<vmem>>, vector<16xf32>,
      tpu.vector_store %arg8[%parallel_loop3A_77, %parallel_loop3A_78], %broadcast_in_dim3A_12 {strides = array<i32>} : memref<8x4096xf32, #tpu.memory_space<vmem>>, vector<16xf32>,
      %parallel_loop3A_80 = arith.constant 16 : i32
      %parallel_loop3A_81 = arith.muli %parallel_loop3A_49, %parallel_loop3A_80 : i32
      %parallel_loop3A_82 = arith.constant 2 : i32
      %parallel_loop3A_83 = arith.index_cast %parallel_loop3A_82 : i32 to index
      %parallel_loop3A_84 = arith.index_cast %parallel_loop3A_81 : i32 to index
      %parallel_loop3A_85 = tpu.vector_load %arg9[%parallel_loop3A_83, %parallel_loop3A_84] {strides = array<i32>} : memref<8x4096xf32, #tpu.memory_space<vmem>>, vector<16xf32>,
      tpu.vector_store %arg9[%parallel_loop3A_83, %parallel_loop3A_84], %broadcast_in_dim3A_12 {strides = array<i32>} : memref<8x4096xf32, #tpu.memory_space<vmem>>, vector<16xf32>,
      %parallel_loop3A_86 = arith.constant 16 : i32
      %parallel_loop3A_87 = arith.muli %parallel_loop3A_49, %parallel_loop3A_86 : i32
      %parallel_loop3A_88 = arith.constant 3 : i32
      %parallel_loop3A_89 = arith.index_cast %parallel_loop3A_88 : i32 to index
      %parallel_loop3A_90 = arith.index_cast %parallel_loop3A_87 : i32 to index
      %parallel_loop3A_91 = tpu.vector_load %arg8[%parallel_loop3A_89, %parallel_loop3A_90] {strides = array<i32>} : memref<8x4096xf32, #tpu.memory_space<vmem>>, vector<16xf32>,
      tpu.vector_store %arg8[%parallel_loop3A_89, %parallel_loop3A_90], %broadcast_in_dim3A_12 {strides = array<i32>} : memref<8x4096xf32, #tpu.memory_space<vmem>>, vector<16xf32>,
      %parallel_loop3A_92 = arith.constant 16 : i32
      %parallel_loop3A_93 = arith.muli %parallel_loop3A_49, %parallel_loop3A_92 : i32
      %parallel_loop3A_94 = arith.constant 3 : i32
      %parallel_loop3A_95 = arith.index_cast %parallel_loop3A_94 : i32 to index
      %parallel_loop3A_96 = arith.index_cast %parallel_loop3A_93 : i32 to index
      %parallel_loop3A_97 = tpu.vector_load %arg9[%parallel_loop3A_95, %parallel_loop3A_96] {strides = array<i32>} : memref<8x4096xf32, #tpu.memory_space<vmem>>, vector<16xf32>,
      tpu.vector_store %arg9[%parallel_loop3A_95, %parallel_loop3A_96], %broadcast_in_dim3A_12 {strides = array<i32>} : memref<8x4096xf32, #tpu.memory_space<vmem>>, vector<16xf32>,
      %parallel_loop3A_98 = arith.constant 16 : i32
      %parallel_loop3A_99 = arith.muli %parallel_loop3A_49, %parallel_loop3A_98 : i32
      %parallel_loop3A_100 = arith.constant 4 : i32
      %parallel_loop3A_101 = arith.index_cast %parallel_loop3A_100 : i32 to index
      %parallel_loop3A_102 = arith.index_cast %parallel_loop3A_99 : i32 to index
      %parallel_loop3A_103 = tpu.vector_load %arg8[%parallel_loop3A_101, %parallel_loop3A_102] {strides = array<i32>} : memref<8x4096xf32, #tpu.memory_space<vmem>>, vector<16xf32>,
      tpu.vector_store %arg8[%parallel_loop3A_101, %parallel_loop3A_102], %broadcast_in_dim3A_12 {strides = array<i32>} : memref<8x4096xf32, #tpu.memory_space<vmem>>, vector<16xf32>,
      %parallel_loop3A_104 = arith.constant 16 : i32
      %parallel_loop3A_105 = arith.muli %parallel_loop3A_49, %parallel_loop3A_104 : i32
      %parallel_loop3A_106 = arith.constant 4 : i32
      %parallel_loop3A_107 = arith.index_cast %parallel_loop3A_106 : i32 to index
      %parallel_loop3A_108 = arith.index_cast %parallel_loop3A_105 : i32 to index
      %parallel_loop3A_109 = tpu.vector_load %arg9[%parallel_loop3A_107, %parallel_loop3A_108] {strides = array<i32>} : memref<8x4096xf32, #tpu.memory_space<vmem>>, vector<16xf32>,
      tpu.vector_store %arg9[%parallel_loop3A_107, %parallel_loop3A_108], %broadcast_in_dim3A_12 {strides = array<i32>} : memref<8x4096xf32, #tpu.memory_space<vmem>>, vector<16xf32>,
      %parallel_loop3A_110 = arith.constant 16 : i32
      %parallel_loop3A_111 = arith.muli %parallel_loop3A_49, %parallel_loop3A_110 : i32
      %parallel_loop3A_112 = arith.constant 5 : i32
      %parallel_loop3A_113 = arith.index_cast %parallel_loop3A_112 : i32 to index
      %parallel_loop3A_114 = arith.index_cast %parallel_loop3A_111 : i32 to index
      %parallel_loop3A_115 = tpu.vector_load %arg8[%parallel_loop3A_113, %parallel_loop3A_114] {strides = array<i32>} : memref<8x4096xf32, #tpu.memory_space<vmem>>, vector<16xf32>,
      tpu.vector_store %arg8[%parallel_loop3A_113, %parallel_loop3A_114], %broadcast_in_dim3A_12 {strides = array<i32>} : memref<8x4096xf32, #tpu.memory_space<vmem>>, vector<16xf32>,
      %parallel_loop3A_116 = arith.constant 16 : i32
      %parallel_loop3A_117 = arith.muli %parallel_loop3A_49, %parallel_loop3A_116 : i32
      %parallel_loop3A_118 = arith.constant 5 : i32
      %parallel_loop3A_119 = arith.index_cast %parallel_loop3A_118 : i32 to index
      %parallel_loop3A_120 = arith.index_cast %parallel_loop3A_117 : i32 to index
      %parallel_loop3A_121 = tpu.vector_load %arg9[%parallel_loop3A_119, %parallel_loop3A_120] {strides = array<i32>} : memref<8x4096xf32, #tpu.memory_space<vmem>>, vector<16xf32>,
      tpu.vector_store %arg9[%parallel_loop3A_119, %parallel_loop3A_120], %broadcast_in_dim3A_12 {strides = array<i32>} : memref<8x4096xf32, #tpu.memory_space<vmem>>, vector<16xf32>,
      %parallel_loop3A_122 = arith.constant 16 : i32
      %parallel_loop3A_123 = arith.muli %parallel_loop3A_49, %parallel_loop3A_122 : i32
      %parallel_loop3A_124 = arith.constant 6 : i32
      %parallel_loop3A_125 = arith.index_cast %parallel_loop3A_124 : i32 to index
      %parallel_loop3A_126 = arith.index_cast %parallel_loop3A_123 : i32 to index
      %parallel_loop3A_127 = tpu.vector_load %arg8[%parallel_loop3A_125, %parallel_loop3A_126] {strides = array<i32>} : memref<8x4096xf32, #tpu.memory_space<vmem>>, vector<16xf32>,
      tpu.vector_store %arg8[%parallel_loop3A_125, %parallel_loop3A_126], %broadcast_in_dim3A_12 {strides = array<i32>} : memref<8x4096xf32, #tpu.memory_space<vmem>>, vector<16xf32>,
      %parallel_loop3A_128 = arith.constant 16 : i32
      %parallel_loop3A_129 = arith.muli %parallel_loop3A_49, %parallel_loop3A_128 : i32
      %parallel_loop3A_130 = arith.constant 6 : i32
      %parallel_loop3A_131 = arith.index_cast %parallel_loop3A_130 : i32 to index
      %parallel_loop3A_132 = arith.index_cast %parallel_loop3A_129 : i32 to index
      %parallel_loop3A_133 = tpu.vector_load %arg9[%parallel_loop3A_131, %parallel_loop3A_132] {strides = array<i32>} : memref<8x4096xf32, #tpu.memory_space<vmem>>, vector<16xf32>,
      tpu.vector_store %arg9[%parallel_loop3A_131, %parallel_loop3A_132], %broadcast_in_dim3A_12 {strides = array<i32>} : memref<8x4096xf32, #tpu.memory_space<vmem>>, vector<16xf32>,
      %parallel_loop3A_134 = arith.constant 16 : i32
      %parallel_loop3A_135 = arith.muli %parallel_loop3A_49, %parallel_loop3A_134 : i32
      %parallel_loop3A_136 = arith.constant 7 : i32
      %parallel_loop3A_137 = arith.index_cast %parallel_loop3A_136 : i32 to index
      %parallel_loop3A_138 = arith.index_cast %parallel_loop3A_135 : i32 to index
      %parallel_loop3A_139 = tpu.vector_load %arg8[%parallel_loop3A_137, %parallel_loop3A_138] {strides = array<i32>} : memref<8x4096xf32, #tpu.memory_space<vmem>>, vector<16xf32>,
      tpu.vector_store %arg8[%parallel_loop3A_137, %parallel_loop3A_138], %broadcast_in_dim3A_12 {strides = array<i32>} : memref<8x4096xf32, #tpu.memory_space<vmem>>, vector<16xf32>,
      %parallel_loop3A_140 = arith.constant 16 : i32
      %parallel_loop3A_141 = arith.muli %parallel_loop3A_49, %parallel_loop3A_140 : i32
      %parallel_loop3A_142 = arith.constant 7 : i32
      %parallel_loop3A_143 = arith.index_cast %parallel_loop3A_142 : i32 to index
      %parallel_loop3A_144 = arith.index_cast %parallel_loop3A_141 : i32 to index
      %parallel_loop3A_145 = tpu.vector_load %arg9[%parallel_loop3A_143, %parallel_loop3A_144] {strides = array<i32>} : memref<8x4096xf32, #tpu.memory_space<vmem>>, vector<16xf32>,
      tpu.vector_store %arg9[%parallel_loop3A_143, %parallel_loop3A_144], %broadcast_in_dim3A_12 {strides = array<i32>} : memref<8x4096xf32, #tpu.memory_space<vmem>>, vector<16xf32>,
    } {sc.loop_unroll_factor = 4 : i64, sc.parallel_access}
    %broadcast_in_dim3A_15 = arith.constant 0 : i32
    %broadcast_in_dim3A_16 = vector.broadcast %broadcast_in_dim3A_15 : i32 to vector<16xi32>
    %broadcast_in_dim3A_17 = arith.constant 1 : i32
    %broadcast_in_dim3A_18 = vector.broadcast %broadcast_in_dim3A_17 : i32 to vector<16xi32>
    %broadcast_in_dim3A_19 = arith.constant 2 : i32
    %broadcast_in_dim3A_20 = vector.broadcast %broadcast_in_dim3A_19 : i32 to vector<16xi32>
    %broadcast_in_dim3A_21 = arith.constant 3 : i32
    %broadcast_in_dim3A_22 = vector.broadcast %broadcast_in_dim3A_21 : i32 to vector<16xi32>
    %broadcast_in_dim3A_23 = arith.constant 4 : i32
    %broadcast_in_dim3A_24 = vector.broadcast %broadcast_in_dim3A_23 : i32 to vector<16xi32>
    %broadcast_in_dim3A_25 = arith.constant 5 : i32
    %broadcast_in_dim3A_26 = vector.broadcast %broadcast_in_dim3A_25 : i32 to vector<16xi32>
    %broadcast_in_dim3A_27 = arith.constant 6 : i32
    %broadcast_in_dim3A_28 = vector.broadcast %broadcast_in_dim3A_27 : i32 to vector<16xi32>
    %broadcast_in_dim3A_29 = arith.constant 7 : i32
    %broadcast_in_dim3A_30 = vector.broadcast %broadcast_in_dim3A_29 : i32 to vector<16xi32>
    %iota3A = tpu.iota {dimensions = array<i32: 0>} : vector<16xi32>
    %ge3A = arith.constant 8 : i32
    %ge3A_31 = vector.broadcast %ge3A : i32 to vector<16xi32>
    %ge3A_32 = arith.cmpi sge, %iota3A, %ge3A_31 : vector<16xi32>
    %scan3A = arith.constant 0 : i32
    %scan3A_33 = arith.constant 0 : i32
    %scan3A_34 = arith.constant 32 : i32
    %scan3A_35 = arith.addi %scan3A_33, %scan3A_34 : i32
    %scan3A_36 = arith.constant 1 : i32
    scf.for %scan3A_49 = %scan3A_33 to %scan3A_35 step %scan3A_36  : i32 {
      %mul3A_50 = arith.constant 2 : i32
      %mul3A_51 = arith.muli %scan3A_49, %mul3A_50 : i32
      %add3A_52 = arith.constant 0 : i32
      %add3A_53 = arith.addi %mul3A_51, %add3A_52 : i32
      %mul3A_54 = arith.constant 8 : i32
      %mul3A_55 = arith.muli %add3A_53, %mul3A_54 : i32
      %add3A_56 = arith.addi %mul3A_2, %mul3A_55 : i32
      %dma_wait3A_57 = arith.constant 0 : i32
      %dma_wait3A_58 = arith.constant 0 : i32
      %dma_wait3A_59 = tpu.memref_slice %arg2[%dma_wait3A_57, %dma_wait3A_58] : memref<16384x3000xf32, #tpu.memory_space<hbm>> -> memref<8x3000xf32, #tpu.memory_space<hbm>>
      %dma_wait3A_60 = arith.constant 0 : i32
      %dma_wait3A_61 = arith.constant 0 : i32
      %dma_wait3A_62 = tpu.memref_slice %arg2[%dma_wait3A_60, %dma_wait3A_61] : memref<16384x3000xf32, #tpu.memory_space<hbm>> -> memref<8x3000xf32, #tpu.memory_space<hbm>>
      tpu.wait_dma2 semaphore(%arg10 : memref<!tpu.dma_semaphore, #tpu.memory_space<semaphore_mem>>) src(%dma_wait3A_62 : memref<8x3000xf32, #tpu.memory_space<hbm>>) dst(%arg6 : memref<8x3000xf32, #tpu.memory_space<vmem>>)
      %gt3A = arith.constant 0 : i32
      %gt3A_63 = arith.cmpi sgt, %scan3A_49, %gt3A : i32
      %convert_element_type3A = arith.extui %gt3A_63 : i1 to i32
      %cond3A = arith.constant 0 : i32
      %cond3A_64 = arith.cmpi ne, %convert_element_type3A, %cond3A : i32
      scf.if %cond3A_64 {
        %dma_wait3A_177 = arith.constant 0 : i32
        %dma_wait3A_178 = arith.constant 0 : i32
        %dma_wait3A_179 = tpu.memref_slice %arg4[%dma_wait3A_177, %dma_wait3A_178] : memref<16384x4096xf32, #tpu.memory_space<hbm>> -> memref<8x4096xf32, #tpu.memory_space<hbm>>
        %dma_wait3A_180 = arith.constant 0 : i32
        %dma_wait3A_181 = arith.constant 0 : i32
        %dma_wait3A_182 = tpu.memref_slice %arg4[%dma_wait3A_180, %dma_wait3A_181] : memref<16384x4096xf32, #tpu.memory_space<hbm>> -> memref<8x4096xf32, #tpu.memory_space<hbm>>
        tpu.wait_dma2 semaphore(%arg12 : memref<!tpu.dma_semaphore, #tpu.memory_space<semaphore_mem>>) src(%arg8 : memref<8x4096xf32, #tpu.memory_space<vmem>>) dst(%dma_wait3A_182 : memref<8x4096xf32, #tpu.memory_space<hbm>>)
      } else {
      }
      %parallel_loop3A_65 = arith.constant 0 : i32
      %parallel_loop3A_66 = arith.constant 187 : i32
      %parallel_loop3A_67 = arith.constant 1 : i32
      scf.for %parallel_loop3A_177 = %parallel_loop3A_65 to %parallel_loop3A_66 step %parallel_loop3A_67  : i32 {
        %parallel_loop3A_178 = arith.constant 16 : i32
        %parallel_loop3A_179 = arith.muli %parallel_loop3A_177, %parallel_loop3A_178 : i32
        %parallel_loop3A_180 = arith.index_cast %parallel_loop3A_179 : i32 to index
        %parallel_loop3A_181 = tpu.vector_load %arg5[%parallel_loop3A_180] {strides = array<i32>} : memref<3000xi32, #tpu.memory_space<vmem>>, vector<16xi32>,
        %parallel_loop3A_182 = arith.constant 16 : i32
        %parallel_loop3A_183 = arith.muli %parallel_loop3A_177, %parallel_loop3A_182 : i32
        %parallel_loop3A_184 = arith.constant 0 : i32
        %parallel_loop3A_185 = arith.index_cast %parallel_loop3A_184 : i32 to index
        %parallel_loop3A_186 = arith.index_cast %parallel_loop3A_183 : i32 to index
        %parallel_loop3A_187 = tpu.vector_load %arg6[%parallel_loop3A_185, %parallel_loop3A_186] {strides = array<i32>} : memref<8x3000xf32, #tpu.memory_space<vmem>>, vector<16xf32>,
        tpu.vector_store_idx %arg8[%broadcast_in_dim3A_16, %parallel_loop3A_181], %parallel_loop3A_187 : memref<8x4096xf32, #tpu.memory_space<vmem>>[vector<16xi32>, vector<16xi32>], vector<16xf32>,
        %parallel_loop3A_188 = arith.constant 16 : i32
        %parallel_loop3A_189 = arith.muli %parallel_loop3A_177, %parallel_loop3A_188 : i32
        %parallel_loop3A_190 = arith.constant 1 : i32
        %parallel_loop3A_191 = arith.index_cast %parallel_loop3A_190 : i32 to index
        %parallel_loop3A_192 = arith.index_cast %parallel_loop3A_189 : i32 to index
        %parallel_loop3A_193 = tpu.vector_load %arg6[%parallel_loop3A_191, %parallel_loop3A_192] {strides = array<i32>} : memref<8x3000xf32, #tpu.memory_space<vmem>>, vector<16xf32>,
        tpu.vector_store_idx %arg8[%broadcast_in_dim3A_18, %parallel_loop3A_181], %parallel_loop3A_193 : memref<8x4096xf32, #tpu.memory_space<vmem>>[vector<16xi32>, vector<16xi32>], vector<16xf32>,
        %parallel_loop3A_194 = arith.constant 16 : i32
        %parallel_loop3A_195 = arith.muli %parallel_loop3A_177, %parallel_loop3A_194 : i32
        %parallel_loop3A_196 = arith.constant 2 : i32
        %parallel_loop3A_197 = arith.index_cast %parallel_loop3A_196 : i32 to index
        %parallel_loop3A_198 = arith.index_cast %parallel_loop3A_195 : i32 to index
        %parallel_loop3A_199 = tpu.vector_load %arg6[%parallel_loop3A_197, %parallel_loop3A_198] {strides = array<i32>} : memref<8x3000xf32, #tpu.memory_space<vmem>>, vector<16xf32>,
        tpu.vector_store_idx %arg8[%broadcast_in_dim3A_20, %parallel_loop3A_181], %parallel_loop3A_199 : memref<8x4096xf32, #tpu.memory_space<vmem>>[vector<16xi32>, vector<16xi32>], vector<16xf32>,
        %parallel_loop3A_200 = arith.constant 16 : i32
        %parallel_loop3A_201 = arith.muli %parallel_loop3A_177, %parallel_loop3A_200 : i32
        %parallel_loop3A_202 = arith.constant 3 : i32
        %parallel_loop3A_203 = arith.index_cast %parallel_loop3A_202 : i32 to index
        %parallel_loop3A_204 = arith.index_cast %parallel_loop3A_201 : i32 to index
        %parallel_loop3A_205 = tpu.vector_load %arg6[%parallel_loop3A_203, %parallel_loop3A_204] {strides = array<i32>} : memref<8x3000xf32, #tpu.memory_space<vmem>>, vector<16xf32>,
        tpu.vector_store_idx %arg8[%broadcast_in_dim3A_22, %parallel_loop3A_181], %parallel_loop3A_205 : memref<8x4096xf32, #tpu.memory_space<vmem>>[vector<16xi32>, vector<16xi32>], vector<16xf32>,
        %parallel_loop3A_206 = arith.constant 16 : i32
        %parallel_loop3A_207 = arith.muli %parallel_loop3A_177, %parallel_loop3A_206 : i32
        %parallel_loop3A_208 = arith.constant 4 : i32
        %parallel_loop3A_209 = arith.index_cast %parallel_loop3A_208 : i32 to index
        %parallel_loop3A_210 = arith.index_cast %parallel_loop3A_207 : i32 to index
        %parallel_loop3A_211 = tpu.vector_load %arg6[%parallel_loop3A_209, %parallel_loop3A_210] {strides = array<i32>} : memref<8x3000xf32, #tpu.memory_space<vmem>>, vector<16xf32>,
        tpu.vector_store_idx %arg8[%broadcast_in_dim3A_24, %parallel_loop3A_181], %parallel_loop3A_211 : memref<8x4096xf32, #tpu.memory_space<vmem>>[vector<16xi32>, vector<16xi32>], vector<16xf32>,
        %parallel_loop3A_212 = arith.constant 16 : i32
        %parallel_loop3A_213 = arith.muli %parallel_loop3A_177, %parallel_loop3A_212 : i32
        %parallel_loop3A_214 = arith.constant 5 : i32
        %parallel_loop3A_215 = arith.index_cast %parallel_loop3A_214 : i32 to index
        %parallel_loop3A_216 = arith.index_cast %parallel_loop3A_213 : i32 to index
        %parallel_loop3A_217 = tpu.vector_load %arg6[%parallel_loop3A_215, %parallel_loop3A_216] {strides = array<i32>} : memref<8x3000xf32, #tpu.memory_space<vmem>>, vector<16xf32>,
        tpu.vector_store_idx %arg8[%broadcast_in_dim3A_26, %parallel_loop3A_181], %parallel_loop3A_217 : memref<8x4096xf32, #tpu.memory_space<vmem>>[vector<16xi32>, vector<16xi32>], vector<16xf32>,
        %parallel_loop3A_218 = arith.constant 16 : i32
        %parallel_loop3A_219 = arith.muli %parallel_loop3A_177, %parallel_loop3A_218 : i32
        %parallel_loop3A_220 = arith.constant 6 : i32
        %parallel_loop3A_221 = arith.index_cast %parallel_loop3A_220 : i32 to index
        %parallel_loop3A_222 = arith.index_cast %parallel_loop3A_219 : i32 to index
        %parallel_loop3A_223 = tpu.vector_load %arg6[%parallel_loop3A_221, %parallel_loop3A_222] {strides = array<i32>} : memref<8x3000xf32, #tpu.memory_space<vmem>>, vector<16xf32>,
        tpu.vector_store_idx %arg8[%broadcast_in_dim3A_28, %parallel_loop3A_181], %parallel_loop3A_223 : memref<8x4096xf32, #tpu.memory_space<vmem>>[vector<16xi32>, vector<16xi32>], vector<16xf32>,
        %parallel_loop3A_224 = arith.constant 16 : i32
        %parallel_loop3A_225 = arith.muli %parallel_loop3A_177, %parallel_loop3A_224 : i32
        %parallel_loop3A_226 = arith.constant 7 : i32
        %parallel_loop3A_227 = arith.index_cast %parallel_loop3A_226 : i32 to index
        %parallel_loop3A_228 = arith.index_cast %parallel_loop3A_225 : i32 to index
        %parallel_loop3A_229 = tpu.vector_load %arg6[%parallel_loop3A_227, %parallel_loop3A_228] {strides = array<i32>} : memref<8x3000xf32, #tpu.memory_space<vmem>>, vector<16xf32>,
        tpu.vector_store_idx %arg8[%broadcast_in_dim3A_30, %parallel_loop3A_181], %parallel_loop3A_229 : memref<8x4096xf32, #tpu.memory_space<vmem>>[vector<16xi32>, vector<16xi32>], vector<16xf32>,
      } {sc.loop_unroll_factor = 4 : i64, sc.parallel_access}
      %get3A = arith.constant 2984 : index
      %get3A_68 = tpu.vector_load %arg5[%get3A] {strides = array<i32>} : memref<3000xi32, #tpu.memory_space<vmem>>, vector<16xi32>,
      %get3A_69 = arith.constant 0 : i32
      %get3A_70 = arith.index_cast %get3A_69 : i32 to index
      %get3A_71 = arith.constant 2984 : index
      %get3A_72 = tpu.vector_load %arg6[%get3A_70, %get3A_71] {strides = array<i32>} : memref<8x3000xf32, #tpu.memory_space<vmem>>, vector<16xf32>,
      tpu.vector_store_idx %arg8[%broadcast_in_dim3A_16, %get3A_68], %get3A_72 masked %ge3A_32 : memref<8x4096xf32, #tpu.memory_space<vmem>>[vector<16xi32>, vector<16xi32>], vector<16xf32>, vector<16xi1>
      %get3A_73 = arith.constant 1 : i32
      %get3A_74 = arith.index_cast %get3A_73 : i32 to index
      %get3A_75 = arith.constant 2984 : index
      %get3A_76 = tpu.vector_load %arg6[%get3A_74, %get3A_75] {strides = array<i32>} : memref<8x3000xf32, #tpu.memory_space<vmem>>, vector<16xf32>,
      tpu.vector_store_idx %arg8[%broadcast_in_dim3A_18, %get3A_68], %get3A_76 masked %ge3A_32 : memref<8x4096xf32, #tpu.memory_space<vmem>>[vector<16xi32>, vector<16xi32>], vector<16xf32>, vector<16xi1>
      %get3A_77 = arith.constant 2 : i32
      %get3A_78 = arith.index_cast %get3A_77 : i32 to index
      %get3A_79 = arith.constant 2984 : index
      %get3A_80 = tpu.vector_load %arg6[%get3A_78, %get3A_79] {strides = array<i32>} : memref<8x3000xf32, #tpu.memory_space<vmem>>, vector<16xf32>,
      tpu.vector_store_idx %arg8[%broadcast_in_dim3A_20, %get3A_68], %get3A_80 masked %ge3A_32 : memref<8x4096xf32, #tpu.memory_space<vmem>>[vector<16xi32>, vector<16xi32>], vector<16xf32>, vector<16xi1>
      %get3A_81 = arith.constant 3 : i32
      %get3A_82 = arith.index_cast %get3A_81 : i32 to index
      %get3A_83 = arith.constant 2984 : index
      %get3A_84 = tpu.vector_load %arg6[%get3A_82, %get3A_83] {strides = array<i32>} : memref<8x3000xf32, #tpu.memory_space<vmem>>, vector<16xf32>,
      tpu.vector_store_idx %arg8[%broadcast_in_dim3A_22, %get3A_68], %get3A_84 masked %ge3A_32 : memref<8x4096xf32, #tpu.memory_space<vmem>>[vector<16xi32>, vector<16xi32>], vector<16xf32>, vector<16xi1>
      %get3A_85 = arith.constant 4 : i32
      %get3A_86 = arith.index_cast %get3A_85 : i32 to index
      %get3A_87 = arith.constant 2984 : index
      %get3A_88 = tpu.vector_load %arg6[%get3A_86, %get3A_87] {strides = array<i32>} : memref<8x3000xf32, #tpu.memory_space<vmem>>, vector<16xf32>,
      tpu.vector_store_idx %arg8[%broadcast_in_dim3A_24, %get3A_68], %get3A_88 masked %ge3A_32 : memref<8x4096xf32, #tpu.memory_space<vmem>>[vector<16xi32>, vector<16xi32>], vector<16xf32>, vector<16xi1>
      %get3A_89 = arith.constant 5 : i32
      %get3A_90 = arith.index_cast %get3A_89 : i32 to index
      %get3A_91 = arith.constant 2984 : index
      %get3A_92 = tpu.vector_load %arg6[%get3A_90, %get3A_91] {strides = array<i32>} : memref<8x3000xf32, #tpu.memory_space<vmem>>, vector<16xf32>,
      tpu.vector_store_idx %arg8[%broadcast_in_dim3A_26, %get3A_68], %get3A_92 masked %ge3A_32 : memref<8x4096xf32, #tpu.memory_space<vmem>>[vector<16xi32>, vector<16xi32>], vector<16xf32>, vector<16xi1>
      %get3A_93 = arith.constant 6 : i32
      %get3A_94 = arith.index_cast %get3A_93 : i32 to index
      %get3A_95 = arith.constant 2984 : index
      %get3A_96 = tpu.vector_load %arg6[%get3A_94, %get3A_95] {strides = array<i32>} : memref<8x3000xf32, #tpu.memory_space<vmem>>, vector<16xf32>,
      tpu.vector_store_idx %arg8[%broadcast_in_dim3A_28, %get3A_68], %get3A_96 masked %ge3A_32 : memref<8x4096xf32, #tpu.memory_space<vmem>>[vector<16xi32>, vector<16xi32>], vector<16xf32>, vector<16xi1>
      %get3A_97 = arith.constant 7 : i32
      %get3A_98 = arith.index_cast %get3A_97 : i32 to index
      %get3A_99 = arith.constant 2984 : index
      %get3A_100 = tpu.vector_load %arg6[%get3A_98, %get3A_99] {strides = array<i32>} : memref<8x3000xf32, #tpu.memory_space<vmem>>, vector<16xf32>,
      tpu.vector_store_idx %arg8[%broadcast_in_dim3A_30, %get3A_68], %get3A_100 masked %ge3A_32 : memref<8x4096xf32, #tpu.memory_space<vmem>>[vector<16xi32>, vector<16xi32>], vector<16xf32>, vector<16xi1>
      %dma_start3A_101 = arith.constant 0 : i32
      %dma_start3A_102 = tpu.memref_slice %arg4[%add3A_56, %dma_start3A_101] : memref<16384x4096xf32, #tpu.memory_space<hbm>> -> memref<8x4096xf32, #tpu.memory_space<hbm>>
      %dma_start3A_103 = arith.constant 0 : i32
      %dma_start3A_104 = tpu.memref_slice %arg4[%add3A_56, %dma_start3A_103] : memref<16384x4096xf32, #tpu.memory_space<hbm>> -> memref<8x4096xf32, #tpu.memory_space<hbm>>
      tpu.enqueue_dma source(%arg8 : memref<8x4096xf32, #tpu.memory_space<vmem>>) target(%dma_start3A_104 : memref<8x4096xf32, #tpu.memory_space<hbm>>) target_semaphore(%arg12 : memref<!tpu.dma_semaphore, #tpu.memory_space<semaphore_mem>>)
      %add3A_105 = arith.constant 2 : i32
      %add3A_106 = arith.addi %add3A_53, %add3A_105 : i32
      %lt3A = arith.constant 64 : i32
      %lt3A_107 = arith.cmpi slt, %add3A_106, %lt3A : i32
      %convert_element_type3A_108 = arith.extui %lt3A_107 : i1 to i32
      %cond3A_109 = arith.constant 0 : i32
      %cond3A_110 = arith.cmpi ne, %convert_element_type3A_108, %cond3A_109 : i32
      scf.if %cond3A_110 {
        %add3A_177 = arith.constant 16 : i32
        %add3A_178 = arith.addi %add3A_56, %add3A_177 : i32
        %dma_start3A_179 = arith.constant 0 : i32
        %dma_start3A_180 = tpu.memref_slice %arg2[%add3A_178, %dma_start3A_179] : memref<16384x3000xf32, #tpu.memory_space<hbm>> -> memref<8x3000xf32, #tpu.memory_space<hbm>>
        %dma_start3A_181 = arith.constant 0 : i32
        %dma_start3A_182 = tpu.memref_slice %arg2[%add3A_178, %dma_start3A_181] : memref<16384x3000xf32, #tpu.memory_space<hbm>> -> memref<8x3000xf32, #tpu.memory_space<hbm>>
        tpu.enqueue_dma source(%dma_start3A_182 : memref<8x3000xf32, #tpu.memory_space<hbm>>) target(%arg6 : memref<8x3000xf32, #tpu.memory_space<vmem>>) target_semaphore(%arg10 : memref<!tpu.dma_semaphore, #tpu.memory_space<semaphore_mem>>)
      } else {
      }
      %mul3A_111 = arith.constant 2 : i32
      %mul3A_112 = arith.muli %scan3A_49, %mul3A_111 : i32
      %add3A_113 = arith.constant 1 : i32
      %add3A_114 = arith.addi %mul3A_112, %add3A_113 : i32
      %mul3A_115 = arith.constant 8 : i32
      %mul3A_116 = arith.muli %add3A_114, %mul3A_115 : i32
      %add3A_117 = arith.addi %mul3A_2, %mul3A_116 : i32
      %dma_wait3A_118 = arith.constant 0 : i32
      %dma_wait3A_119 = arith.constant 0 : i32
      %dma_wait3A_120 = tpu.memref_slice %arg2[%dma_wait3A_118, %dma_wait3A_119] : memref<16384x3000xf32, #tpu.memory_space<hbm>> -> memref<8x3000xf32, #tpu.memory_space<hbm>>
      %dma_wait3A_121 = arith.constant 0 : i32
      %dma_wait3A_122 = arith.constant 0 : i32
      %dma_wait3A_123 = tpu.memref_slice %arg2[%dma_wait3A_121, %dma_wait3A_122] : memref<16384x3000xf32, #tpu.memory_space<hbm>> -> memref<8x3000xf32, #tpu.memory_space<hbm>>
      tpu.wait_dma2 semaphore(%arg11 : memref<!tpu.dma_semaphore, #tpu.memory_space<semaphore_mem>>) src(%dma_wait3A_123 : memref<8x3000xf32, #tpu.memory_space<hbm>>) dst(%arg7 : memref<8x3000xf32, #tpu.memory_space<vmem>>)
      %gt3A_124 = arith.constant 0 : i32
      %gt3A_125 = arith.cmpi sgt, %scan3A_49, %gt3A_124 : i32
      %convert_element_type3A_126 = arith.extui %gt3A_125 : i1 to i32
      %cond3A_127 = arith.constant 0 : i32
      %cond3A_128 = arith.cmpi ne, %convert_element_type3A_126, %cond3A_127 : i32
      scf.if %cond3A_128 {
        %dma_wait3A_177 = arith.constant 0 : i32
        %dma_wait3A_178 = arith.constant 0 : i32
        %dma_wait3A_179 = tpu.memref_slice %arg4[%dma_wait3A_177, %dma_wait3A_178] : memref<16384x4096xf32, #tpu.memory_space<hbm>> -> memref<8x4096xf32, #tpu.memory_space<hbm>>
        %dma_wait3A_180 = arith.constant 0 : i32
        %dma_wait3A_181 = arith.constant 0 : i32
        %dma_wait3A_182 = tpu.memref_slice %arg4[%dma_wait3A_180, %dma_wait3A_181] : memref<16384x4096xf32, #tpu.memory_space<hbm>> -> memref<8x4096xf32, #tpu.memory_space<hbm>>
        tpu.wait_dma2 semaphore(%arg13 : memref<!tpu.dma_semaphore, #tpu.memory_space<semaphore_mem>>) src(%arg9 : memref<8x4096xf32, #tpu.memory_space<vmem>>) dst(%dma_wait3A_182 : memref<8x4096xf32, #tpu.memory_space<hbm>>)
      } else {
      }
      %parallel_loop3A_129 = arith.constant 0 : i32
      %parallel_loop3A_130 = arith.constant 187 : i32
      %parallel_loop3A_131 = arith.constant 1 : i32
      scf.for %parallel_loop3A_177 = %parallel_loop3A_129 to %parallel_loop3A_130 step %parallel_loop3A_131  : i32 {
        %parallel_loop3A_178 = arith.constant 16 : i32
        %parallel_loop3A_179 = arith.muli %parallel_loop3A_177, %parallel_loop3A_178 : i32
        %parallel_loop3A_180 = arith.index_cast %parallel_loop3A_179 : i32 to index
        %parallel_loop3A_181 = tpu.vector_load %arg5[%parallel_loop3A_180] {strides = array<i32>} : memref<3000xi32, #tpu.memory_space<vmem>>, vector<16xi32>,
        %parallel_loop3A_182 = arith.constant 16 : i32
        %parallel_loop3A_183 = arith.muli %parallel_loop3A_177, %parallel_loop3A_182 : i32
        %parallel_loop3A_184 = arith.constant 0 : i32
        %parallel_loop3A_185 = arith.index_cast %parallel_loop3A_184 : i32 to index
        %parallel_loop3A_186 = arith.index_cast %parallel_loop3A_183 : i32 to index
        %parallel_loop3A_187 = tpu.vector_load %arg7[%parallel_loop3A_185, %parallel_loop3A_186] {strides = array<i32>} : memref<8x3000xf32, #tpu.memory_space<vmem>>, vector<16xf32>,
        tpu.vector_store_idx %arg9[%broadcast_in_dim3A_16, %parallel_loop3A_181], %parallel_loop3A_187 : memref<8x4096xf32, #tpu.memory_space<vmem>>[vector<16xi32>, vector<16xi32>], vector<16xf32>,
        %parallel_loop3A_188 = arith.constant 16 : i32
        %parallel_loop3A_189 = arith.muli %parallel_loop3A_177, %parallel_loop3A_188 : i32
        %parallel_loop3A_190 = arith.constant 1 : i32
        %parallel_loop3A_191 = arith.index_cast %parallel_loop3A_190 : i32 to index
        %parallel_loop3A_192 = arith.index_cast %parallel_loop3A_189 : i32 to index
        %parallel_loop3A_193 = tpu.vector_load %arg7[%parallel_loop3A_191, %parallel_loop3A_192] {strides = array<i32>} : memref<8x3000xf32, #tpu.memory_space<vmem>>, vector<16xf32>,
        tpu.vector_store_idx %arg9[%broadcast_in_dim3A_18, %parallel_loop3A_181], %parallel_loop3A_193 : memref<8x4096xf32, #tpu.memory_space<vmem>>[vector<16xi32>, vector<16xi32>], vector<16xf32>,
        %parallel_loop3A_194 = arith.constant 16 : i32
        %parallel_loop3A_195 = arith.muli %parallel_loop3A_177, %parallel_loop3A_194 : i32
        %parallel_loop3A_196 = arith.constant 2 : i32
        %parallel_loop3A_197 = arith.index_cast %parallel_loop3A_196 : i32 to index
        %parallel_loop3A_198 = arith.index_cast %parallel_loop3A_195 : i32 to index
        %parallel_loop3A_199 = tpu.vector_load %arg7[%parallel_loop3A_197, %parallel_loop3A_198] {strides = array<i32>} : memref<8x3000xf32, #tpu.memory_space<vmem>>, vector<16xf32>,
        tpu.vector_store_idx %arg9[%broadcast_in_dim3A_20, %parallel_loop3A_181], %parallel_loop3A_199 : memref<8x4096xf32, #tpu.memory_space<vmem>>[vector<16xi32>, vector<16xi32>], vector<16xf32>,
        %parallel_loop3A_200 = arith.constant 16 : i32
        %parallel_loop3A_201 = arith.muli %parallel_loop3A_177, %parallel_loop3A_200 : i32
        %parallel_loop3A_202 = arith.constant 3 : i32
        %parallel_loop3A_203 = arith.index_cast %parallel_loop3A_202 : i32 to index
        %parallel_loop3A_204 = arith.index_cast %parallel_loop3A_201 : i32 to index
        %parallel_loop3A_205 = tpu.vector_load %arg7[%parallel_loop3A_203, %parallel_loop3A_204] {strides = array<i32>} : memref<8x3000xf32, #tpu.memory_space<vmem>>, vector<16xf32>,
        tpu.vector_store_idx %arg9[%broadcast_in_dim3A_22, %parallel_loop3A_181], %parallel_loop3A_205 : memref<8x4096xf32, #tpu.memory_space<vmem>>[vector<16xi32>, vector<16xi32>], vector<16xf32>,
        %parallel_loop3A_206 = arith.constant 16 : i32
        %parallel_loop3A_207 = arith.muli %parallel_loop3A_177, %parallel_loop3A_206 : i32
        %parallel_loop3A_208 = arith.constant 4 : i32
        %parallel_loop3A_209 = arith.index_cast %parallel_loop3A_208 : i32 to index
        %parallel_loop3A_210 = arith.index_cast %parallel_loop3A_207 : i32 to index
        %parallel_loop3A_211 = tpu.vector_load %arg7[%parallel_loop3A_209, %parallel_loop3A_210] {strides = array<i32>} : memref<8x3000xf32, #tpu.memory_space<vmem>>, vector<16xf32>,
        tpu.vector_store_idx %arg9[%broadcast_in_dim3A_24, %parallel_loop3A_181], %parallel_loop3A_211 : memref<8x4096xf32, #tpu.memory_space<vmem>>[vector<16xi32>, vector<16xi32>], vector<16xf32>,
        %parallel_loop3A_212 = arith.constant 16 : i32
        %parallel_loop3A_213 = arith.muli %parallel_loop3A_177, %parallel_loop3A_212 : i32
        %parallel_loop3A_214 = arith.constant 5 : i32
        %parallel_loop3A_215 = arith.index_cast %parallel_loop3A_214 : i32 to index
        %parallel_loop3A_216 = arith.index_cast %parallel_loop3A_213 : i32 to index
        %parallel_loop3A_217 = tpu.vector_load %arg7[%parallel_loop3A_215, %parallel_loop3A_216] {strides = array<i32>} : memref<8x3000xf32, #tpu.memory_space<vmem>>, vector<16xf32>,
        tpu.vector_store_idx %arg9[%broadcast_in_dim3A_26, %parallel_loop3A_181], %parallel_loop3A_217 : memref<8x4096xf32, #tpu.memory_space<vmem>>[vector<16xi32>, vector<16xi32>], vector<16xf32>,
        %parallel_loop3A_218 = arith.constant 16 : i32
        %parallel_loop3A_219 = arith.muli %parallel_loop3A_177, %parallel_loop3A_218 : i32
        %parallel_loop3A_220 = arith.constant 6 : i32
        %parallel_loop3A_221 = arith.index_cast %parallel_loop3A_220 : i32 to index
        %parallel_loop3A_222 = arith.index_cast %parallel_loop3A_219 : i32 to index
        %parallel_loop3A_223 = tpu.vector_load %arg7[%parallel_loop3A_221, %parallel_loop3A_222] {strides = array<i32>} : memref<8x3000xf32, #tpu.memory_space<vmem>>, vector<16xf32>,
        tpu.vector_store_idx %arg9[%broadcast_in_dim3A_28, %parallel_loop3A_181], %parallel_loop3A_223 : memref<8x4096xf32, #tpu.memory_space<vmem>>[vector<16xi32>, vector<16xi32>], vector<16xf32>,
        %parallel_loop3A_224 = arith.constant 16 : i32
        %parallel_loop3A_225 = arith.muli %parallel_loop3A_177, %parallel_loop3A_224 : i32
        %parallel_loop3A_226 = arith.constant 7 : i32
        %parallel_loop3A_227 = arith.index_cast %parallel_loop3A_226 : i32 to index
        %parallel_loop3A_228 = arith.index_cast %parallel_loop3A_225 : i32 to index
        %parallel_loop3A_229 = tpu.vector_load %arg7[%parallel_loop3A_227, %parallel_loop3A_228] {strides = array<i32>} : memref<8x3000xf32, #tpu.memory_space<vmem>>, vector<16xf32>,
        tpu.vector_store_idx %arg9[%broadcast_in_dim3A_30, %parallel_loop3A_181], %parallel_loop3A_229 : memref<8x4096xf32, #tpu.memory_space<vmem>>[vector<16xi32>, vector<16xi32>], vector<16xf32>,
      } {sc.loop_unroll_factor = 4 : i64, sc.parallel_access}
      %get3A_132 = arith.constant 2984 : index
      %get3A_133 = tpu.vector_load %arg5[%get3A_132] {strides = array<i32>} : memref<3000xi32, #tpu.memory_space<vmem>>, vector<16xi32>,
      %get3A_134 = arith.constant 0 : i32
      %get3A_135 = arith.index_cast %get3A_134 : i32 to index
      %get3A_136 = arith.constant 2984 : index
      %get3A_137 = tpu.vector_load %arg7[%get3A_135, %get3A_136] {strides = array<i32>} : memref<8x3000xf32, #tpu.memory_space<vmem>>, vector<16xf32>,
      tpu.vector_store_idx %arg9[%broadcast_in_dim3A_16, %get3A_133], %get3A_137 masked %ge3A_32 : memref<8x4096xf32, #tpu.memory_space<vmem>>[vector<16xi32>, vector<16xi32>], vector<16xf32>, vector<16xi1>
      %get3A_138 = arith.constant 1 : i32
      %get3A_139 = arith.index_cast %get3A_138 : i32 to index
      %get3A_140 = arith.constant 2984 : index
      %get3A_141 = tpu.vector_load %arg7[%get3A_139, %get3A_140] {strides = array<i32>} : memref<8x3000xf32, #tpu.memory_space<vmem>>, vector<16xf32>,
      tpu.vector_store_idx %arg9[%broadcast_in_dim3A_18, %get3A_133], %get3A_141 masked %ge3A_32 : memref<8x4096xf32, #tpu.memory_space<vmem>>[vector<16xi32>, vector<16xi32>], vector<16xf32>, vector<16xi1>
      %get3A_142 = arith.constant 2 : i32
      %get3A_143 = arith.index_cast %get3A_142 : i32 to index
      %get3A_144 = arith.constant 2984 : index
      %get3A_145 = tpu.vector_load %arg7[%get3A_143, %get3A_144] {strides = array<i32>} : memref<8x3000xf32, #tpu.memory_space<vmem>>, vector<16xf32>,
      tpu.vector_store_idx %arg9[%broadcast_in_dim3A_20, %get3A_133], %get3A_145 masked %ge3A_32 : memref<8x4096xf32, #tpu.memory_space<vmem>>[vector<16xi32>, vector<16xi32>], vector<16xf32>, vector<16xi1>
      %get3A_146 = arith.constant 3 : i32
      %get3A_147 = arith.index_cast %get3A_146 : i32 to index
      %get3A_148 = arith.constant 2984 : index
      %get3A_149 = tpu.vector_load %arg7[%get3A_147, %get3A_148] {strides = array<i32>} : memref<8x3000xf32, #tpu.memory_space<vmem>>, vector<16xf32>,
      tpu.vector_store_idx %arg9[%broadcast_in_dim3A_22, %get3A_133], %get3A_149 masked %ge3A_32 : memref<8x4096xf32, #tpu.memory_space<vmem>>[vector<16xi32>, vector<16xi32>], vector<16xf32>, vector<16xi1>
      %get3A_150 = arith.constant 4 : i32
      %get3A_151 = arith.index_cast %get3A_150 : i32 to index
      %get3A_152 = arith.constant 2984 : index
      %get3A_153 = tpu.vector_load %arg7[%get3A_151, %get3A_152] {strides = array<i32>} : memref<8x3000xf32, #tpu.memory_space<vmem>>, vector<16xf32>,
      tpu.vector_store_idx %arg9[%broadcast_in_dim3A_24, %get3A_133], %get3A_153 masked %ge3A_32 : memref<8x4096xf32, #tpu.memory_space<vmem>>[vector<16xi32>, vector<16xi32>], vector<16xf32>, vector<16xi1>
      %get3A_154 = arith.constant 5 : i32
      %get3A_155 = arith.index_cast %get3A_154 : i32 to index
      %get3A_156 = arith.constant 2984 : index
      %get3A_157 = tpu.vector_load %arg7[%get3A_155, %get3A_156] {strides = array<i32>} : memref<8x3000xf32, #tpu.memory_space<vmem>>, vector<16xf32>,
      tpu.vector_store_idx %arg9[%broadcast_in_dim3A_26, %get3A_133], %get3A_157 masked %ge3A_32 : memref<8x4096xf32, #tpu.memory_space<vmem>>[vector<16xi32>, vector<16xi32>], vector<16xf32>, vector<16xi1>
      %get3A_158 = arith.constant 6 : i32
      %get3A_159 = arith.index_cast %get3A_158 : i32 to index
      %get3A_160 = arith.constant 2984 : index
      %get3A_161 = tpu.vector_load %arg7[%get3A_159, %get3A_160] {strides = array<i32>} : memref<8x3000xf32, #tpu.memory_space<vmem>>, vector<16xf32>,
      tpu.vector_store_idx %arg9[%broadcast_in_dim3A_28, %get3A_133], %get3A_161 masked %ge3A_32 : memref<8x4096xf32, #tpu.memory_space<vmem>>[vector<16xi32>, vector<16xi32>], vector<16xf32>, vector<16xi1>
      %get3A_162 = arith.constant 7 : i32
      %get3A_163 = arith.index_cast %get3A_162 : i32 to index
      %get3A_164 = arith.constant 2984 : index
      %get3A_165 = tpu.vector_load %arg7[%get3A_163, %get3A_164] {strides = array<i32>} : memref<8x3000xf32, #tpu.memory_space<vmem>>, vector<16xf32>,
      tpu.vector_store_idx %arg9[%broadcast_in_dim3A_30, %get3A_133], %get3A_165 masked %ge3A_32 : memref<8x4096xf32, #tpu.memory_space<vmem>>[vector<16xi32>, vector<16xi32>], vector<16xf32>, vector<16xi1>
      %dma_start3A_166 = arith.constant 0 : i32
      %dma_start3A_167 = tpu.memref_slice %arg4[%add3A_117, %dma_start3A_166] : memref<16384x4096xf32, #tpu.memory_space<hbm>> -> memref<8x4096xf32, #tpu.memory_space<hbm>>
      %dma_start3A_168 = arith.constant 0 : i32
      %dma_start3A_169 = tpu.memref_slice %arg4[%add3A_117, %dma_start3A_168] : memref<16384x4096xf32, #tpu.memory_space<hbm>> -> memref<8x4096xf32, #tpu.memory_space<hbm>>
      tpu.enqueue_dma source(%arg9 : memref<8x4096xf32, #tpu.memory_space<vmem>>) target(%dma_start3A_169 : memref<8x4096xf32, #tpu.memory_space<hbm>>) target_semaphore(%arg13 : memref<!tpu.dma_semaphore, #tpu.memory_space<semaphore_mem>>)
      %add3A_170 = arith.constant 2 : i32
      %add3A_171 = arith.addi %add3A_114, %add3A_170 : i32
      %lt3A_172 = arith.constant 64 : i32
      %lt3A_173 = arith.cmpi slt, %add3A_171, %lt3A_172 : i32
      %convert_element_type3A_174 = arith.extui %lt3A_173 : i1 to i32
      %cond3A_175 = arith.constant 0 : i32
      %cond3A_176 = arith.cmpi ne, %convert_element_type3A_174, %cond3A_175 : i32
      scf.if %cond3A_176 {
        %add3A_177 = arith.constant 16 : i32
        %add3A_178 = arith.addi %add3A_117, %add3A_177 : i32
        %dma_start3A_179 = arith.constant 0 : i32
        %dma_start3A_180 = tpu.memref_slice %arg2[%add3A_178, %dma_start3A_179] : memref<16384x3000xf32, #tpu.memory_space<hbm>> -> memref<8x3000xf32, #tpu.memory_space<hbm>>
        %dma_start3A_181 = arith.constant 0 : i32
        %dma_start3A_182 = tpu.memref_slice %arg2[%add3A_178, %dma_start3A_181] : memref<16384x3000xf32, #tpu.memory_space<hbm>> -> memref<8x3000xf32, #tpu.memory_space<hbm>>
        tpu.enqueue_dma source(%dma_start3A_182 : memref<8x3000xf32, #tpu.memory_space<hbm>>) target(%arg7 : memref<8x3000xf32, #tpu.memory_space<vmem>>) target_semaphore(%arg11 : memref<!tpu.dma_semaphore, #tpu.memory_space<semaphore_mem>>)
      } else {
      }
    }
    %scan3A_37 = arith.constant 32 : i32
    %dma_wait3A = arith.constant 0 : i32
    %dma_wait3A_38 = arith.constant 0 : i32
    %dma_wait3A_39 = tpu.memref_slice %arg4[%dma_wait3A, %dma_wait3A_38] : memref<16384x4096xf32, #tpu.memory_space<hbm>> -> memref<8x4096xf32, #tpu.memory_space<hbm>>
    %dma_wait3A_40 = arith.constant 0 : i32
    %dma_wait3A_41 = arith.constant 0 : i32
    %dma_wait3A_42 = tpu.memref_slice %arg4[%dma_wait3A_40, %dma_wait3A_41] : memref<16384x4096xf32, #tpu.memory_space<hbm>> -> memref<8x4096xf32, #tpu.memory_space<hbm>>
    tpu.wait_dma2 semaphore(%arg12 : memref<!tpu.dma_semaphore, #tpu.memory_space<semaphore_mem>>) src(%arg8 : memref<8x4096xf32, #tpu.memory_space<vmem>>) dst(%dma_wait3A_42 : memref<8x4096xf32, #tpu.memory_space<hbm>>)
    %dma_wait3A_43 = arith.constant 0 : i32
    %dma_wait3A_44 = arith.constant 0 : i32
    %dma_wait3A_45 = tpu.memref_slice %arg4[%dma_wait3A_43, %dma_wait3A_44] : memref<16384x4096xf32, #tpu.memory_space<hbm>> -> memref<8x4096xf32, #tpu.memory_space<hbm>>
    %dma_wait3A_46 = arith.constant 0 : i32
    %dma_wait3A_47 = arith.constant 0 : i32
    %dma_wait3A_48 = tpu.memref_slice %arg4[%dma_wait3A_46, %dma_wait3A_47] : memref<16384x4096xf32, #tpu.memory_space<hbm>> -> memref<8x4096xf32, #tpu.memory_space<hbm>>
    tpu.wait_dma2 semaphore(%arg13 : memref<!tpu.dma_semaphore, #tpu.memory_space<semaphore_mem>>) src(%arg9 : memref<8x4096xf32, #tpu.memory_space<vmem>>) dst(%dma_wait3A_48 : memref<8x4096xf32, #tpu.memory_space<hbm>>)
    return
  }
}

</mosaic_0001>

<sc_bundles>
// kernel: kernel.3.cloned.1.call-start
scs
__scs_entry_jumppad:
0x0: {  	(pc) =	sbr.rel $0x88, $3  }
0x1: {  	(tag) =	ssettag $0x0;
	lr =	simm.s32 $0x1  }
0x2: {  	[smem:$0x3F9F] =	sst lr;
	_ =	strace $0xD0000000  }
0x3: {  	_ = 	snop  }
0x4: {  	_ = 	snop  }
0x5: {  	_ = 	snop  }
0x6: {  	_ = 	snop  }
0x7: {  	_ = 	snop  }
__scs_overlays_trampoline_lowered:
0x8: {  	[smem:$0x3FAE] =	sst s0  }
0x9: {  	[smem:$0x3FAF] =	sst s1  }
0xa: {  	[smem:$0x3FB0] =	sst s2  }
0xb: {  	[smem:$0x3FB1] =	sst s3  }
0xc: {  	[smem:$0x3FB2] =	sst s4  }
0xd: {  	[smem:$0x3FB3] =	sst s5  }
0xe: {  	[smem:$0x3FB4] =	sst s6  }
0xf: {  	[smem:$0x3FB5] =	sst s7  }
0x10: {  	[smem:$0x3FB6] =	sst s8  }
0x11: {  	[smem:$0x3FB7] =	sst s9;
	s0 =	simm.s32 @!p0 $0x0  }
0x12: {  	s1 =	sld [smem:$0x3F9D];
	s0 =	simm.s32 @p0 $0x1  }
0x13: {  	[smem:$0x3FB8] =	sst s0;
	s0 =	simm.s32 @!p1 $0x0  }
0x14: {  	s2 =	sld [smem:$0x3F9C];
	s0 =	simm.s32 @p1 $0x1  }
0x15: {  	[smem:$0x3FB9] =	sst s0;
	s0 =	simm.s32 @!p2 $0x0  }
0x16: {  	s3 =	sld [smem:$0x3FDB];
	s0 =	simm.s32 @p2 $0x1  }
0x17: {  	s4 =	simm.s32 $0x1BF5;
	[smem:$0x3FBB] =	sst s0  }
0x18: {  	s0 =	sld [smem:$0x3F9E];
	_ =	swait.ge [sflag:s4], $0x0  }
0x19: {  	s7 =	sld [smem:$0x3F9F]  }
0x1a: {  	s8 =	sadd.s32 $0xFFFFE003, lr  }
0x1b: {  	s9 =	sadd.s32 $0xFFFFFEF7, lr;
	s5 =	simm.s32 $0xFFFFFFFF;
	p2 =	slt.u32 s8, $0xFFFFF086  }
0x1c: {  	p1 =	slt.u32 s9, $0xF7A;
	s5 =	simm.s32 @!p2 $0x0  }
0x1d: {  	s5 =	simm.s32 @p1 $0x1;
	p0 =	seq.s32 s7, s2  }
0x1e: {  	s7 =	smul.u32 @!p0 $0xF7A, s2;
	p2 =	seq.s32 @!p0 s5, $0x0  }
0x1f: {  	s9 =	smul.u32 $0xF7A, s1;
	s8 =	simm.s32 @!p0 $0x1BF5;
	p2 =	por !p2, p0  }
0x20: {  	[sflag:s8] =	ssyncset.s32 @!p0 $0xFFFFF086;
	s6 =	sadd.s32 @!p0 s3, s7;
	s7 =	simm.s32 @!p0 $0x108  }
0x21: {  	s3 =	sadd.s32 s3, s9;
	s6 =	sadd.s32 @!p0 $0x88, s6;
	s7 =	simm.s32 @p2 $0x1082  }
0x22: {  	[simem:s7], [sflag:s8] =	dma.local @!p0 [hbm:s6], $0xF7A  }
0x23: {  	s9 =	sor.u32 $0xD0000000, s2;
	s6 =	simm.s32 $0x108;
	_ =	swait.ge @!p0 [sflag:s8], $0x0  }
0x24: {  	s3 =	sadd.s32 $0x88, s3;
	s6 =	simm.s32 @!p1 $0x1082;
	[sflag:s4] =	ssyncset.s32 $0xFFFFF086  }
0x25: {  	[simem:s6], [sflag:s4] =	dma.local [hbm:s3], $0xF7A  }
0x26: {  	[smem:$0x3F9F] =	sst s1;
	(tag) =	ssettag s2;
	_ =	strace s9  }
0x27: {  	s1 =	sld [smem:$0x3FAF]  }
0x28: {  	s2 =	sld [smem:$0x3FB0]  }
0x29: {  	s4 =	sld [smem:$0x3FB2]  }
0x2a: {  	p0 =	seq.s32 s5, $0x0;
	s5 =	sld [smem:$0x3FB3]  }
0x2b: {  	s6 =	sld [smem:$0x3FB4]  }
0x2c: {  	s7 =	sld [smem:$0x3FB5]  }
0x2d: {  	s3 =	simm.s32 $0x108;
	s8 =	sld [smem:$0x3FB6]  }
0x2e: {  	s3 =	simm.s32 @!p0 $0x1082;
	s9 =	sld [smem:$0x3FB7]  }
0x2f: {  	lr =	sadd.s32 s0, s3;
	s0 =	sld [smem:$0x3FAE]  }
0x30: {  	s3 =	sld [smem:$0x3FB1]  }
0x31: {  	[smem:$0x3FBA] =	sst s10  }
0x32: {  	s10 =	sld [smem:$0x3FB8];
	_ =	sdelay $0x3  }
0x33: {  	p0 =	seq.s32 s10, $0x1;
	s10 =	sld [smem:$0x3FBA];
	_ =	sdelay $0x3  }
0x34: {  	[smem:$0x3FBA] =	sst s10  }
0x35: {  	s10 =	sld [smem:$0x3FB9];
	_ =	sdelay $0x3  }
0x36: {  	p1 =	seq.s32 s10, $0x1;
	s10 =	sld [smem:$0x3FBA];
	_ =	sdelay $0x3  }
0x37: {  	[smem:$0x3FBA] =	sst s10  }
0x38: {  	s10 =	sld [smem:$0x3FBB]  }
0x39: {  	_ = 	snop;
	(pc) =	sbr.ind lr, $3  }
0x3a: {  	_ = 	snop  }
0x3b: {  	_ = 	snop  }
0x3c: {  	p2 =	seq.s32 s10, $0x1;
	s10 =	sld [smem:$0x3FBA]  }
0x3d: {  	_ =	shalt  }
0x3e: {  	_ =	shalt  }
0x3f: {  	_ =	shalt  }
0x40: {  	_ =	shalt  }
0x41: {  	_ =	shalt  }
0x42: {  	_ =	shalt  }
0x43: {  	_ =	shalt  }
0x44: {  	_ =	shalt  }
0x45: {  	_ =	shalt  }
0x46: {  	_ =	shalt  }
0x47: {  	_ =	shalt  }
0x48: {  	_ =	shalt  }
0x49: {  	_ =	shalt  }
0x4a: {  	_ =	shalt  }
0x4b: {  	_ =	shalt  }
0x4c: {  	_ =	shalt  }
0x4d: {  	_ =	shalt  }
0x4e: {  	_ =	shalt  }
0x4f: {  	_ =	shalt  }
0x50: {  	_ =	shalt  }
0x51: {  	_ =	shalt  }
0x52: {  	_ =	shalt  }
0x53: {  	_ =	shalt  }
0x54: {  	_ =	shalt  }
0x55: {  	_ =	shalt  }
0x56: {  	_ =	shalt  }
0x57: {  	_ =	shalt  }
0x58: {  	_ =	shalt  }
0x59: {  	_ =	shalt  }
0x5a: {  	_ =	shalt  }
0x5b: {  	_ =	shalt  }
0x5c: {  	_ =	shalt  }
0x5d: {  	_ =	shalt  }
0x5e: {  	_ =	shalt  }
0x5f: {  	_ =	shalt  }
0x60: {  	_ =	shalt  }
0x61: {  	_ =	shalt  }
0x62: {  	_ =	shalt  }
0x63: {  	_ =	shalt  }
0x64: {  	_ =	shalt  }
0x65: {  	_ =	shalt  }
0x66: {  	_ =	shalt  }
0x67: {  	_ =	shalt  }
0x68: {  	_ =	shalt  }
0x69: {  	_ =	shalt  }
0x6a: {  	_ =	shalt  }
0x6b: {  	_ =	shalt  }
0x6c: {  	_ =	shalt  }
0x6d: {  	_ =	shalt  }
0x6e: {  	_ =	shalt  }
0x6f: {  	_ =	shalt  }
0x70: {  	_ =	shalt  }
0x71: {  	_ =	shalt  }
0x72: {  	_ =	shalt  }
0x73: {  	_ =	shalt  }
0x74: {  	_ =	shalt  }
0x75: {  	_ =	shalt  }
0x76: {  	_ =	shalt  }
0x77: {  	_ =	shalt  }
0x78: {  	_ =	shalt  }
0x79: {  	_ =	shalt  }
0x7a: {  	_ =	shalt  }
0x7b: {  	_ =	shalt  }
0x7c: {  	_ =	shalt  }
0x7d: {  	_ =	shalt  }
0x7e: {  	_ =	shalt  }
0x7f: {  	_ =	shalt  }
0x80: {  	_ =	shalt  }
0x81: {  	_ =	shalt  }
0x82: {  	_ =	shalt  }
0x83: {  	_ =	shalt  }
0x84: {  	_ =	shalt  }
0x85: {  	_ =	shalt  }
0x86: {  	_ =	shalt  }
0x87: {  	_ =	shalt  }
.Lfunc_end0:
.L_simem_size_0:
called_computation_lowered:
.L_overlay_start_0:
0x88: {  	s2 =	sld [smem:$0x3FD9]  }
0x89: {  	s3 =	sld [smem:$0x3FFE];
	_ =	sdelay $0x1  }
0x8a: {  	s1 =	srdreg.scid  }
0x8b: {  	s0 =	sand.u32 $0x1, s1  }
0x8c: {  	s17 =	sshll.u32 s0, $0xA;
	s2 =	sadd.s32 s3, s2  }
0x8d: {  	s2 =	sadd.s32 s2, s17  }
0x8e: {  	[smem:$0x3FC6] =	sst s2  }
0x8f: {  	_ = 	snop  }
0x90: {  	s2 =	sld [smem:$0x3FD0];
	(tm) =	ssettm $0x1  }
0x91: {  	s18 =	sld [smem:$0x3FFB];
	_ =	sdelay $0x3  }
0x92: {  	_ =	strace s18  }
0x93: {  	s3 =	sld [smem:$0x3FFC];
	_ =	sdelay $0x3  }
0x94: {  	_ =	strace s3  }
0x95: {  	s3 =	sld [smem:$0x3FFD];
	_ =	sdelay $0x3  }
0x96: {  	_ =	strace s3  }
0x97: {  	_ =	strace $0x8FFFFFFF  }
0x98: {  	s19 =	sld [smem:$0x3FDB];
	_ =	sdelay $0x1  }
0x99: {  	s4 =	simm.s32 $_scs_section_size  }
0x9a: {  	s5 =	simm.s32 $_size__tile_overlayer_lowered;
	s6 =	simm.s32 $_tile_overlayer_lowered  }
0x9b: {  	s22 =	simm.s32 $0x1BFF;
	s21 =	sshll.u32 s6, $0x1;
	s3 =	sadd.s32 s4, s19  }
0x9c: {  	s7 =	simm.s32 $0x0;
	s20 =	sshll.u32 s5, $0x1;
	s5 =	sadd.s32 s21, s3  }
0x9d: {  	[timem:s7], [sflag:s22] =	dma.local [hbm:s5], s20  }
0x9e: {  	_ =	swait.ge [sflag:s22], s20  }
0x9f: {  	s4 =	ssub.s32 $0x0, s20;
	[sflag:s22] =	ssyncset.done $0x0  }
0xa0: {  	[sflag:s22] =	ssyncadd.s32 s4;
	_ =	sdelay $0x1  }
0xa1: {  	s23 =	simm.s32 $0x1B8B  }
0xa2: {  	_ =	swait.ge [sflag:s23], $0x1  }
0xa3: {  	[sflag:s23] =	ssyncset.done $0x0  }
0xa4: {  	s25 =	simm.s32 $0x1B8E;
	s24 =	sld [smem:$0x3FFE];
	[sflag:s23] =	ssyncadd.s32 $0xFFFFFFFF  }
0xa5: {  	s26 =	simm.s32 $execute0_lowered;
	[smem:$0x3FD2] =	sst s25  }
0xa6: {  	s5 =	sshll.u32 s26, $0x1;
	_ =	strace $0x80000046;
	[dreg:$0x1] =	wrdreg $0xFFFFFFFF  }
0xa7: {  	s28 =	simm.s32 $_size_execute0_lowered;
	s3 =	sadd.s32 s3, s5;
	[dreg:$0x0] =	wrdreg $0x0  }
0xa8: {  	s5 =	sshll.u32 s28, $0x1;
	[dreg:$0x2] =	wrdreg s3  }
0xa9: {  	[dreg:$0x3] =	wrdreg s5  }
0xaa: {  	[dreg:$0x4] =	wrdreg $0xC0  }
0xab: {  	_ =	task [dreg:s7], $0x5FFFF  }
0xac: {  	[dreg:$0x1] =	wrdreg $0xFFFFFFFF  }
0xad: {  	[dreg:$0x0] =	wrdreg $0x60  }
0xae: {  	[dreg:$0x2] =	wrdreg s24  }
0xaf: {  	[dreg:$0x3] =	wrdreg s2  }
0xb0: {  	[dreg:$0x4] =	wrdreg $0x9  }
0xb1: {  	_ =	task.clear_ibuf [dreg:s7], $0x5FFFF;
	_ =	strace $0x90000046  }
0xb2: {  	s29 =	simm.s32 $0x9;
	_ =	strace $0x80000048  }
0xb3: {  	_ =	swait.ge [sflag:s29], $0x1  }
0xb4: {  	[sflag:s29] =	ssyncadd.s32 $0xFFFFFFFF  }
0xb5: {  	_ =	strace $0x90000048  }
0xb6: {  	_ =	sfence  }
0xb7: {  	s30 =	sld [smem:$0x0];
	_ =	sdelay $0x2  }
0xb8: {  	s31 =	sshll.u32 s1, $0xD;
	s1 =	sshrl.u32 s1, $0x2  }
0xb9: {  	s3 =	sand.u32 $0x4000, s31;
	s1 =	sadd.s32 s1, s30  }
0xba: {  	s0 =	sor.u32 s3, s0;
	s1 =	sshll.u32 s1, $0x11  }
0xbb: {  	s0 =	sor.u32 s1, s0  }
0xbc: {  	s0 =	sadd.s32 $0x8F2B, s0  }
0xbd: {  	[sflag:s0] =	ssyncadd.remote.s32 $0x1  }
0xbe: {  	_ =	sfence.sel $0xFFFF  }
0xbf: {  	[dreg:$0x0] =	wrdreg $0xFFFFFFFF;
	(pc) =	sbr.abs _section_cstart, $3  }
0xc0: {  	[dreg:$0x1] =	wrdreg $0xFFFFFFFF  }
0xc1: {  	_ =	task.clear_ibuf [dreg:s7], $0x2FFFF;
	_ =	strace $0x9FFFFFFF  }
0xc2: {  	(tm) =	ssettm $0x7FFFFFFF  }
0xc3: {  	_ =	shalt  }
tec
execute0_lowered:
.L_overlay_start_1:
0x0: {  	(tag) =	ssettag $0x1  }
0x1: {  	s0 =	srdreg.scid;
	s2 =	stileid.u32  }
0x2: {  	s1 =	rddreg [dreg:$0x0];
	s13 =	simm.s32 $0x1;
	s0 =	sand.u32 $0x1, s0  }
0x3: {  	s14 =	simm.s32 $0xCC00;
	s3 =	sshll.u32 s2, $0xA;
	s4 =	sshll.u32 s0, $0x9  }
0x4: {  	s0 =	ssub.s32 $0x2, s0;
	s2 =	sor.u32 s4, s3;
	s4 =	simm.s32 $0x0  }
0x5: {  	s7 =	sshrl.u32 s0, $0x1;
	[dreg:$0x3] =	wrdreg s2;
	s5 =	sshrl.u32 s2, $0x3  }
0x6: {  	[smem:$0x7FF] =	sst s4;
	s0 =	ssub.s32 s0, s7;
	s6 =	smul.u32 $0xC00, s5  }
.Ltmp0:
0x7: {  	s5 =	sadd.s32 $0x600, s1;
	s1 =	sadd.s32 $0x400, s1;
	(pc) =	sbr.rel .LBB2_1-.Ltmp0, $4  }
0x8: {  	_ =	strace $0x80000047;
	s0 =	smax.u32 s0, $0x1;
	[dreg:$0x4] =	wrdreg s1  }
0x9: {  	s15 =	simm.s32 $0x2;
	[dreg:$0x7] =	wrdreg s0;
	s31 =	sadd.s32 s5, s6  }
0xa: {  	s16 =	simm.s32 $0x4;
	[dreg:$0x5] =	wrdreg s31;
	s1 =	sadd.s32 $0xC00, s31  }
0xb: {  	v0 =	vimm.f32 $0.0e+00;
	vm0 =	vcmask $0x3F20;
	s17 =	simm.s32 $0x14C00;
	[dreg:$0x6] =	wrdreg s1;
	s1 =	simm.s32 $0x0  }
.LBB2_18:
0xc: {  	s0 =	simm.s32 $0x3  }
0xd: {  	_ =	swait.ge [sflag:s0], $0x8000  }
0xe: {  	[sflag:s0] =	ssyncset.done $0x0  }
0xf: {  	[sflag:s0] =	ssyncadd.s32 $0xFFFF8000  }
0x10: {  	_ =	swait.ge [sflag:s16], $0x8000  }
0x11: {  	s1 =	rddreg [dreg:$0x8]  }
0x12: {  	s31 =	rddreg [dreg:$0x7];
	s1 =	sadd.s32 $0x1, s1  }
0x13: {  	p0 =	sne.s32 s1, s31  }
.Ltmp1:
0x14: {  	_ = 	snop;
	(pc) =	sbr.rel @!p0 .LBB2_19-.Ltmp1, $3  }
0x15: {  	_ =	sdelay $0x1  }
0x16: {  	[sflag:s16] =	ssyncset.done $0x0  }
0x17: {  	[sflag:s16] =	ssyncadd.s32 $0xFFFF8000  }
.LBB2_1:
0x18: {  	[dreg:$0x8] =	wrdreg s1  }
0x19: {  	s0 =	rddreg [dreg:$0x4];
	s3 =	simm.s32 $0x5  }
0x1a: {  	[tilespmem:s4], [sflag:$0x5] =	stream.linear.gather [hbm4b:s0+s4], $0xC00, $0x38;
	[tilespmem:$0x1CC00] =	vst v63  }
0x1b: {  	_ =	swait.ge [sflag:s3], $0xC00  }
0x1c: {  	s7 =	simm.s32 $0xC00;
	s10 =	sand.u32 $0x40, s4;
	[sflag:s3] =	ssyncset.done $0x0  }
0x1d: {  	s11 =	sand.u32 $0x7C00, s4;
	s6 =	rddreg [dreg:$0x5];
	[sflag:s3] =	ssyncadd.s32 $0xFFFFF400  }
0x1e: {  	[tilespmem:s7], [sflag:$0x1] =	stream.linear.gather [hbm4b:s6+s4], $0x6000, $0x38;
	[tilespmem:$0x1CC00] =	vst v63  }
0x1f: {  	s9 =	simm.s32 $0x6C00;
	s1 =	sor.u32 s10, s11;
	s8 =	rddreg [dreg:$0x6]  }
0x20: {  	[tilespmem:s9], [sflag:$0x2] =	stream.linear.gather [hbm4b:s8+s4], $0x6000, $0x38;
	[tilespmem:$0x1CC00] =	vst v63  }
0x21: {  	[tilespmem:s1+$0x14DB0] =	vst v0  }
0x22: {  	[tilespmem:s1+$0xCDB0] =	vst v0  }
0x23: {  	[tilespmem:s1+$0xCC10] =	vst v0  }
0x24: {  	[tilespmem:s1+$0x14D10] =	vst v0  }
0x25: {  	[tilespmem:s1+$0x14D30] =	vst v0  }
0x26: {  	[tilespmem:s1+$0x14D90] =	vst v0  }
0x27: {  	[tilespmem:s1+$0xCD30] =	vst v0  }
0x28: {  	[tilespmem:s1+$0xCC90] =	vst v0  }
0x29: {  	[tilespmem:s1+$0xCD90] =	vst v0  }
0x2a: {  	[tilespmem:s1+$0x14CB0] =	vst v0  }
0x2b: {  	[tilespmem:s1+$0xCD10] =	vst v0  }
0x2c: {  	[tilespmem:s1+$0xCCB0] =	vst v0  }
0x2d: {  	[tilespmem:s1+$0x14C30] =	vst v0  }
0x2e: {  	[tilespmem:s1+$0xCC30] =	vst v0  }
0x2f: {  	[tilespmem:s1+$0x14C80] =	vst v0  }
0x30: {  	[tilespmem:s1+$0xCC00] =	vst v0  }
0x31: {  	[tilespmem:s1+$0x14C90] =	vst v0  }
0x32: {  	[tilespmem:s1+$0xCD00] =	vst v0  }
0x33: {  	[tilespmem:s1+$0x14D00] =	vst v0  }
0x34: {  	[tilespmem:s1+$0x14C00] =	vst v0  }
0x35: {  	[tilespmem:s1+$0x14C10] =	vst v0  }
0x36: {  	[tilespmem:s1+$0xCD80] =	vst v0  }
0x37: {  	[tilespmem:s1+$0x14D80] =	vst v0  }
0x38: {  	[tilespmem:s1+$0x14DA0] =	vst v0  }
0x39: {  	[tilespmem:s1+$0xCC20] =	vst v0  }
0x3a: {  	[tilespmem:s1+$0xCDA0] =	vst v0  }
0x3b: {  	p0 =	por $0x0, $0x0;
	s0 =	simm.s32 $0x1;
	[tilespmem:s1+$0xCC80] =	vst v0  }
0x3c: {  	s0 =	simm.s32 @!p0 $0x0;
	[tilespmem:s1+$0x14D20] =	vst v0  }
0x3d: {  	s0 =	sshll.u32 s0, $0x6;
	[tilespmem:s1+$0xCD20] =	vst v0  }
0x3e: {  	s6 =	sadd.s32 $0x0, s0;
	[tilespmem:s1+$0x14CA0] =	vst v0  }
0x3f: {  	s0 =	sadd.s32 $0x30, s6;
	[tilespmem:s1+$0xCCA0] =	vst v0  }
0x40: {  	s7 =	sor.u32 $0x200, s0;
	[tilespmem:s1+$0x14C20] =	vst v0  }
0x41: {  	s12 =	sadd.s32 $0x10, s6;
	[tilespmem:s7+$0xCC00] =	vst v0  }
0x42: {  	s8 =	sor.u32 $0x200, s12;
	[tilespmem:s7+$0x14C00] =	vst v0  }
0x43: {  	[tilespmem:s8+$0xCC00] =	vst v0  }
0x44: {  	s19 =	sadd.s32 $0x20, s6;
	s20 =	sor.u32 $0x200, s6;
	[tilespmem:s8+$0x14C00] =	vst v0  }
0x45: {  	s21 =	sor.u32 $0x200, s19;
	[tilespmem:s20+$0x14C00] =	vst v0  }
0x46: {  	[tilespmem:s21+$0xCC00] =	vst v0  }
0x47: {  	[tilespmem:s21+$0x14C00] =	vst v0  }
0x48: {  	s9 =	sor.u32 $0x280, s12;
	[tilespmem:s20+$0xCC00] =	vst v0  }
0x49: {  	[tilespmem:s9+$0xCC00] =	vst v0  }
0x4a: {  	s22 =	sor.u32 $0x280, s6;
	[tilespmem:s9+$0x14C00] =	vst v0  }
0x4b: {  	[tilespmem:s22+$0xCC00] =	vst v0  }
0x4c: {  	s25 =	sor.u32 $0x280, s19;
	[tilespmem:s22+$0x14C00] =	vst v0  }
0x4d: {  	[tilespmem:s25+$0xCC00] =	vst v0  }
0x4e: {  	s30 =	sor.u32 $0x280, s0;
	[tilespmem:s25+$0x14C00] =	vst v0  }
0x4f: {  	[tilespmem:s30+$0x14C00] =	vst v0  }
0x50: {  	s18 =	sor.u32 $0x300, s12;
	[tilespmem:s30+$0xCC00] =	vst v0  }
0x51: {  	[tilespmem:s18+$0xCC00] =	vst v0  }
0x52: {  	s23 =	sor.u32 $0x300, s6;
	[tilespmem:s18+$0x14C00] =	vst v0  }
0x53: {  	[tilespmem:s23+$0xCC00] =	vst v0  }
0x54: {  	s26 =	sor.u32 $0x300, s19;
	[tilespmem:s23+$0x14C00] =	vst v0  }
0x55: {  	[tilespmem:s26+$0xCC00] =	vst v0  }
0x56: {  	s31 =	sor.u32 $0x300, s0;
	[tilespmem:s26+$0x14C00] =	vst v0  }
0x57: {  	[tilespmem:s31+$0xCC00] =	vst v0  }
0x58: {  	s24 =	sor.u32 $0x380, s6;
	[tilespmem:s31+$0x14C00] =	vst v0  }
0x59: {  	[tilespmem:s24+$0xCC00] =	vst v0  }
0x5a: {  	s28 =	sor.u32 $0x380, s12;
	[tilespmem:s24+$0x14C00] =	vst v0  }
0x5b: {  	[tilespmem:s28+$0xCC00] =	vst v0  }
0x5c: {  	s29 =	sor.u32 $0x380, s19;
	[tilespmem:s28+$0x14C00] =	vst v0  }
0x5d: {  	p0 =	por !p0, !p0;
	s1 =	sor.u32 $0x380, s0;
	[tilespmem:s29+$0xCC00] =	vst v0  }
0x5e: {  	s21 =	simm.s32 $0x0;
	s22 =	simm.s32 $0x40;
	s23 =	simm.s32 $0x200;
	[tilespmem:s29+$0x14C00] =	vst v0  }
.LBB2_2:
0x5f: {  	s0 =	simm.s32 $0x1  }
0x60: {  	s6 =	sand.u32 $0x40, s22;
	s7 =	sand.u32 $0x7C00, s23;
	[tilespmem:s1+$0xCC00] =	vst v0;
	s0 =	simm.s32 @!p0 $0x0  }
0x61: {  	s21 =	sadd.s32 $0x4, s21;
	s8 =	sshll.u32 s0, $0x6;
	s0 =	sor.u32 s6, s7;
	[tilespmem:s1+$0x14C00] =	vst v0  }
0x62: {  	p1 =	slt.u32 s21, $0xFC;
	s18 =	sadd.s32 s8, s23;
	[tilespmem:s0+$0x14DB0] =	vst v0  }
0x63: {  	s1 =	sadd.s32 $0x10, s18;
	s8 =	sadd.s32 $0x20, s18;
	[tilespmem:s0+$0xCDB0] =	vst v0;
	s24 =	sadd.s32 $0x30, s18  }
0x64: {  	[tilespmem:s0+$0xCC10] =	vst v0;
	s9 =	sor.u32 $0x200, s24  }
0x65: {  	[tilespmem:s0+$0x14D10] =	vst v0  }
0x66: {  	[tilespmem:s0+$0x14D30] =	vst v0  }
0x67: {  	[tilespmem:s0+$0x14D90] =	vst v0  }
0x68: {  	[tilespmem:s0+$0xCD30] =	vst v0  }
0x69: {  	s6 =	sor.u32 $0x200, s8;
	[tilespmem:s0+$0xCC90] =	vst v0  }
0x6a: {  	[tilespmem:s0+$0xCD90] =	vst v0  }
0x6b: {  	[tilespmem:s0+$0x14CB0] =	vst v0  }
0x6c: {  	[tilespmem:s0+$0xCD10] =	vst v0  }
0x6d: {  	[tilespmem:s0+$0xCCB0] =	vst v0  }
0x6e: {  	[tilespmem:s0+$0x14C30] =	vst v0  }
0x6f: {  	[tilespmem:s0+$0xCC30] =	vst v0  }
0x70: {  	s7 =	sor.u32 $0x200, s18;
	s20 =	sor.u32 $0x200, s1;
	[tilespmem:s9+$0xCC00] =	vst v0  }
0x71: {  	[tilespmem:s9+$0x14C00] =	vst v0  }
0x72: {  	s25 =	sor.u32 $0x280, s1;
	s9 =	sor.u32 $0x280, s18;
	[tilespmem:s0+$0x14C80] =	vst v0  }
0x73: {  	[tilespmem:s0+$0xCC00] =	vst v0  }
0x74: {  	s10 =	sor.u32 $0x300, s18;
	s26 =	sor.u32 $0x300, s1;
	[tilespmem:s0+$0x14C90] =	vst v0  }
0x75: {  	[tilespmem:s0+$0xCD00] =	vst v0  }
0x76: {  	s18 =	sor.u32 $0x380, s18;
	[tilespmem:s0+$0x14D00] =	vst v0  }
0x77: {  	[tilespmem:s0+$0x14C00] =	vst v0  }
0x78: {  	[tilespmem:s0+$0x14C10] =	vst v0  }
0x79: {  	s28 =	sor.u32 $0x280, s8;
	[tilespmem:s20+$0xCC00] =	vst v0  }
0x7a: {  	[tilespmem:s20+$0x14C00] =	vst v0  }
0x7b: {  	[tilespmem:s25+$0xCC00] =	vst v0  }
0x7c: {  	[tilespmem:s25+$0x14C00] =	vst v0  }
0x7d: {  	s20 =	sor.u32 $0x380, s8;
	[tilespmem:s26+$0xCC00] =	vst v0  }
0x7e: {  	s8 =	sor.u32 $0x300, s8;
	[tilespmem:s26+$0x14C00] =	vst v0  }
0x7f: {  	[tilespmem:s0+$0xCD80] =	vst v0  }
0x80: {  	[tilespmem:s0+$0x14D80] =	vst v0  }
0x81: {  	[tilespmem:s0+$0x14DA0] =	vst v0  }
0x82: {  	[tilespmem:s0+$0xCC20] =	vst v0  }
0x83: {  	[tilespmem:s0+$0xCDA0] =	vst v0  }
0x84: {  	[tilespmem:s0+$0xCC80] =	vst v0  }
0x85: {  	[tilespmem:s0+$0x14D20] =	vst v0  }
0x86: {  	[tilespmem:s0+$0xCD20] =	vst v0  }
0x87: {  	[tilespmem:s0+$0x14CA0] =	vst v0  }
0x88: {  	[tilespmem:s0+$0xCCA0] =	vst v0  }
0x89: {  	[tilespmem:s0+$0x14C20] =	vst v0  }
0x8a: {  	[tilespmem:s7+$0x14C00] =	vst v0  }
0x8b: {  	[tilespmem:s6+$0xCC00] =	vst v0  }
0x8c: {  	[tilespmem:s6+$0x14C00] =	vst v0  }
0x8d: {  	[tilespmem:s7+$0xCC00] =	vst v0  }
0x8e: {  	[tilespmem:s9+$0xCC00] =	vst v0  }
0x8f: {  	[tilespmem:s9+$0x14C00] =	vst v0  }
0x90: {  	[tilespmem:s10+$0xCC00] =	vst v0  }
0x91: {  	[tilespmem:s10+$0x14C00] =	vst v0  }
0x92: {  	[tilespmem:s18+$0xCC00] =	vst v0  }
0x93: {  	[tilespmem:s18+$0x14C00] =	vst v0  }
0x94: {  	[tilespmem:s28+$0xCC00] =	vst v0  }
0x95: {  	[tilespmem:s28+$0x14C00] =	vst v0  }
0x96: {  	s0 =	sor.u32 $0x380, s1;
	[tilespmem:s8+$0xCC00] =	vst v0  }
0x97: {  	[tilespmem:s0+$0xCC00] =	vst v0  }
0x98: {  	[tilespmem:s0+$0x14C00] =	vst v0  }
0x99: {  	[tilespmem:s8+$0x14C00] =	vst v0  }
0x9a: {  	[tilespmem:s20+$0xCC00] =	vst v0  }
.Ltmp2:
0x9b: {  	s0 =	sor.u32 $0x280, s24;
	[tilespmem:s20+$0x14C00] =	vst v0;
	(pc) =	sbr.rel @p1 .LBB2_2-.Ltmp2, $4  }
0x9c: {  	[tilespmem:s0+$0x14C00] =	vst v0  }
0x9d: {  	[tilespmem:s0+$0xCC00] =	vst v0;
	s0 =	sor.u32 $0x300, s24  }
0x9e: {  	s22 =	sadd.s32 $0x40, s22;
	s20 =	simm.s32 $0x0;
	[tilespmem:s0+$0xCC00] =	vst v0  }
0x9f: {  	p0 =	por !p0, !p0;
	s23 =	sadd.s32 $0x200, s23;
	s1 =	sor.u32 $0x380, s24;
	[tilespmem:s0+$0x14C00] =	vst v0  }
0xa0: {  	[tilespmem:s1+$0xCC00] =	vst v0  }
0xa1: {  	[tilespmem:s1+$0x14C00] =	vst v0;
	s21 =	simm.s32 $0x0  }
.LBB2_4:
0xa2: {  	_ =	swait.ge [sflag:s13], $0x6000  }
0xa3: {  	p0 =	seq.s32 s21, $0x0;
	[sflag:s13] =	ssyncset.done $0x0  }
0xa4: {  	s0 =	simm.s32 @!p0 $0x3;
	[sflag:s13] =	ssyncadd.s32 $0xFFFFA000  }
0xa5: {  	_ =	swait.ge @!p0 [sflag:s0], $0x8000  }
0xa6: {  	s1 =	sand.u32 $0x40, s20;
	[sflag:s0] =	ssyncset.done @!p0 $0x0  }
0xa7: {  	s23 =	sand.u32 $0xF80, s20;
	s6 =	sor.u32 $0x30, s1;
	[sflag:s0] =	ssyncadd.s32 @!p0 $0xFFFF8000  }
0xa8: {  	s7 =	sor.u32 s6, s23;
	v1 =	vld [tilespmem:s20+$0x0]  }
0xa9: {  	s8 =	sor.u32 $0x10, s1;
	v2 =	vld [tilespmem:s7+$0x0]  }
0xaa: {  	s9 =	sor.u32 $0x20, s1;
	s24 =	sor.u32 s8, s23  }
0xab: {  	s0 =	sor.u32 s9, s23;
	v3 =	vld [tilespmem:s24+$0x0]  }
0xac: {  	v4 =	vld [tilespmem:s0+$0x0]  }
0xad: {  	s25 =	sand.u32 $0x7C00, s20  }
0xae: {  	s0 =	sadd.s32 $0xC00, s25;
	v6 =	vand.u32 $0x7F, v1;
	v5 =	vshll.u32 v2, $0x3  }
0xaf: {  	s6 =	sor.u32 s6, s0;
	v1 =	vshll.u32 v1, $0x3;
	v2 =	vand.u32 $0x7F, v2;
	v5 =	vand.u32 $0xFFFFFC00, v5  }
0xb0: {  	v8 =	vld [tilespmem:s6+$0x0];
	v7 =	vshll.u32 v3, $0x3;
	v3 =	vand.u32 $0x7F, v3;
	v5 =	vor.u32 v2, v5  }
0xb1: {  	s26 =	sor.u32 s8, s0;
	v1 =	vand.u32 $0xFFFFFC00, v1;
	v2 =	vand.u32 $0xFFFFFC00, v7;
	v7 =	vshll.u32 v4, $0x3  }
0xb2: {  	s1 =	sor.u32 s1, s0;
	v9 =	vor.u32 v6, v1;
	v1 =	vand.u32 $0x7F, v4;
	v6 =	vld [tilespmem:s26+$0x0];
	v4 =	vor.u32 v3, v2  }
0xb3: {  	s0 =	sor.u32 s9, s0;
	v10 =	vld [tilespmem:s1+$0x0];
	v2 =	vand.u32 $0xFFFFFC00, v7  }
0xb4: {  	v3 =	vor.u32 v1, v2;
	v1 =	vld [tilespmem:s0+$0x0]  }
0xb5: {  	[tilespmem:v5+s14+$0x0] =	vst.idx.msk $0xffff, v8  }
0xb6: {  	v7 =	vor.u32 $0x80, v5;
	v2 =	vld [tilespmem:s6+$0x80]  }
0xb7: {  	[tilespmem:v4+s14+$0x0] =	vst.idx.msk $0xffff, v6  }
0xb8: {  	[tilespmem:v9+s14+$0x0] =	vst.idx.msk $0xffff, v10;
	v6 =	vor.u32 $0x80, v4;
	v11 =	vld [tilespmem:s26+$0x80]  }
0xb9: {  	v10 =	vor.u32 $0x80, v9;
	v8 =	vld [tilespmem:s1+$0x80];
	[tilespmem:v3+s14+$0x0] =	vst.idx.msk $0xffff, v1  }
0xba: {  	v1 =	vor.u32 $0x80, v3;
	v12 =	vld [tilespmem:s0+$0x80]  }
0xbb: {  	[tilespmem:v7+s14+$0x0] =	vst.idx.msk $0xffff, v2  }
0xbc: {  	v7 =	vor.u32 $0x100, v5;
	v2 =	vld [tilespmem:s6+$0x100]  }
0xbd: {  	[tilespmem:v6+s14+$0x0] =	vst.idx.msk $0xffff, v11  }
0xbe: {  	[tilespmem:v10+s14+$0x0] =	vst.idx.msk $0xffff, v8;
	v6 =	vor.u32 $0x100, v4;
	v11 =	vld [tilespmem:s26+$0x100]  }
0xbf: {  	v10 =	vor.u32 $0x100, v9;
	v8 =	vld [tilespmem:s1+$0x100];
	[tilespmem:v1+s14+$0x0] =	vst.idx.msk $0xffff, v12  }
0xc0: {  	v1 =	vor.u32 $0x100, v3;
	v12 =	vld [tilespmem:s0+$0x100]  }
0xc1: {  	[tilespmem:v7+s14+$0x0] =	vst.idx.msk $0xffff, v2  }
0xc2: {  	p1 =	por $0x0, $0x0;
	v7 =	vor.u32 $0x180, v5;
	v2 =	vld [tilespmem:s6+$0x180];
	s6 =	simm.s32 $0x1  }
0xc3: {  	[tilespmem:v6+s14+$0x0] =	vst.idx.msk $0xffff, v11;
	s6 =	simm.s32 @!p1 $0x0  }
0xc4: {  	[tilespmem:v10+s14+$0x0] =	vst.idx.msk $0xffff, v8;
	v6 =	vor.u32 $0x180, v4;
	v11 =	vld [tilespmem:s26+$0x180];
	s29 =	sshll.u32 s6, $0x6  }
0xc5: {  	s23 =	simm.s32 $0x40;
	v10 =	vor.u32 $0x180, v9;
	v8 =	vld [tilespmem:s1+$0x180];
	[tilespmem:v1+s14+$0x0] =	vst.idx.msk $0xffff, v12;
	s26 =	sadd.s32 $0x0, s29  }
0xc6: {  	s10 =	sand.u32 $0x40, s23;
	v1 =	vor.u32 $0x180, v3;
	v12 =	vld [tilespmem:s0+$0x180];
	s6 =	sadd.s32 $0x30, s26  }
0xc7: {  	v13 =	vld [tilespmem:s23+$0x0];
	s11 =	sand.u32 $0xF80, s23;
	s18 =	sor.u32 $0x30, s10;
	[tilespmem:v7+s14+$0x0] =	vst.idx.msk $0xffff, v2;
	s31 =	sor.u32 $0x200, s6  }
0xc8: {  	s22 =	sor.u32 s18, s11;
	s0 =	sadd.s32 $0x10, s26;
	v7 =	vor.u32 $0x200, v5;
	v2 =	vld [tilespmem:s31+$0xC00]  }
0xc9: {  	v14 =	vld [tilespmem:s22+$0x0];
	s3 =	sor.u32 $0x200, s0;
	[tilespmem:v6+s14+$0x0] =	vst.idx.msk $0xffff, v11  }
0xca: {  	s2 =	sor.u32 $0x200, s26;
	s1 =	sadd.s32 $0x20, s26;
	[tilespmem:v10+s14+$0x0] =	vst.idx.msk $0xffff, v8;
	v6 =	vor.u32 $0x200, v4;
	v10 =	vld [tilespmem:s3+$0xC00]  }
0xcb: {  	s8 =	sor.u32 $0x10, s10;
	s9 =	sor.u32 $0x200, s1;
	v8 =	vld [tilespmem:s2+$0xC00];
	[tilespmem:v1+s14+$0x0] =	vst.idx.msk $0xffff, v12;
	v12 =	vor.u32 $0x200, v9  }
0xcc: {  	s12 =	sor.u32 s8, s11;
	v1 =	vor.u32 $0x200, v3;
	v11 =	vld [tilespmem:s9+$0xC00]  }
0xcd: {  	s19 =	sor.u32 $0x20, s10;
	v15 =	vld [tilespmem:s12+$0x0];
	s25 =	sor.u32 $0x280, s6;
	[tilespmem:v7+s14+$0x0] =	vst.idx.msk $0xffff, v2  }
0xce: {  	s9 =	sor.u32 s19, s11;
	v7 =	vor.u32 $0x280, v5;
	v2 =	vld [tilespmem:s25+$0xC00]  }
0xcf: {  	s24 =	simm.s32 $0x200;
	s29 =	sor.u32 $0x280, s0;
	v16 =	vld [tilespmem:s9+$0x0];
	[tilespmem:v6+s14+$0x0] =	vst.idx.msk $0xffff, v10  }
0xd0: {  	s2 =	sor.u32 $0x280, s26;
	v6 =	vor.u32 $0x280, v4;
	s25 =	sand.u32 $0x7C00, s24;
	[tilespmem:v12+s14+$0x0] =	vst.idx.msk $0xffff, v8;
	v10 =	vld [tilespmem:s29+$0xC00]  }
0xd1: {  	v17 =	vor.u32 $0x280, v9;
	s31 =	sor.u32 $0x280, s1;
	v8 =	vshll.u32 v14, $0x3;
	v14 =	vand.u32 $0x7F, v14;
	[tilespmem:v1+s14+$0x0] =	vst.idx.msk $0xffff, v11;
	s25 =	sadd.s32 $0xC00, s25;
	v18 =	vld [tilespmem:s2+$0xC00]  }
0xd2: {  	v11 =	vor.u32 $0x280, v3;
	v1 =	vshll.u32 v13, $0x3;
	v8 =	vand.u32 $0xFFFFFC00, v8;
	v12 =	vld [tilespmem:s31+$0xC00];
	s3 =	sor.u32 s18, s25  }
0xd3: {  	s11 =	sor.u32 $0x300, s6;
	v13 =	vand.u32 $0x7F, v13;
	v19 =	vand.u32 $0xFFFFFC00, v1;
	v1 =	vor.u32 v14, v8;
	v20 =	vld [tilespmem:s3+$0x0];
	[tilespmem:v7+s14+$0x0] =	vst.idx.msk $0xffff, v2  }
0xd4: {  	s10 =	sor.u32 s10, s25;
	v14 =	vor.u32 $0x300, v5;
	v21 =	vshll.u32 v16, $0x3;
	v2 =	vshll.u32 v15, $0x3;
	v8 =	vld [tilespmem:s11+$0xC00]  }
0xd5: {  	s8 =	sor.u32 s8, s25;
	v22 =	vld [tilespmem:s10+$0x0];
	v7 =	vand.u32 $0x7F, v15;
	v15 =	vand.u32 $0xFFFFFC00, v2;
	v2 =	vor.u32 v13, v19;
	[tilespmem:v6+s14+$0x0] =	vst.idx.msk $0xffff, v10  }
0xd6: {  	s12 =	sor.u32 s19, s25;
	v6 =	vand.u32 $0x7F, v16;
	v10 =	vld [tilespmem:s8+$0x0];
	[tilespmem:v17+s14+$0x0] =	vst.idx.msk $0xffff, v18;
	v19 =	vor.u32 v7, v15;
	v7 =	vand.u32 $0xFFFFFC00, v21  }
0xd7: {  	s19 =	sor.u32 $0x300, s0;
	[tilespmem:v11+s14+$0x0] =	vst.idx.msk $0xffff, v12;
	v21 =	vor.u32 v6, v7;
	v6 =	vld [tilespmem:s12+$0x0]  }
0xd8: {  	v11 =	vld [tilespmem:s19+$0xC00];
	v7 =	vor.u32 $0x300, v4;
	[tilespmem:v1+s14+$0x0] =	vst.idx.msk $0xffff, v20  }
0xd9: {  	s6 =	sor.u32 $0x380, s6;
	v13 =	vor.u32 $0x80, v1;
	v12 =	vld [tilespmem:s3+$0x80];
	[tilespmem:v14+s14+$0x0] =	vst.idx.msk $0xffff, v8  }
0xda: {  	v5 =	vor.u32 $0x380, v5;
	[tilespmem:v2+s14+$0x0] =	vst.idx.msk $0xffff, v22;
	v8 =	vld [tilespmem:s6+$0xC00]  }
0xdb: {  	v15 =	vor.u32 $0x80, v2;
	v14 =	vld [tilespmem:s10+$0x80];
	[tilespmem:v19+s14+$0x0] =	vst.idx.msk $0xffff, v10  }
0xdc: {  	s22 =	sor.u32 $0x300, s1;
	v10 =	vor.u32 $0x80, v19;
	v16 =	vld [tilespmem:s8+$0x80];
	[tilespmem:v21+s14+$0x0] =	vst.idx.msk $0xffff, v6  }
0xdd: {  	[tilespmem:v7+s14+$0x0] =	vst.idx.msk $0xffff, v11;
	v7 =	vor.u32 $0x300, v3;
	v11 =	vld [tilespmem:s22+$0xC00]  }
0xde: {  	s25 =	sor.u32 $0x300, s26;
	v6 =	vor.u32 $0x80, v21;
	v17 =	vld [tilespmem:s12+$0x80];
	[tilespmem:v13+s14+$0x0] =	vst.idx.msk $0xffff, v12  }
0xdf: {  	v12 =	vld [tilespmem:s25+$0xC00];
	v13 =	vor.u32 $0x300, v9;
	[tilespmem:v5+s14+$0x0] =	vst.idx.msk $0xffff, v8  }
0xe0: {  	[tilespmem:v15+s14+$0x0] =	vst.idx.msk $0xffff, v14;
	v5 =	vld [tilespmem:s3+$0x100];
	v8 =	vor.u32 $0x100, v1  }
0xe1: {  	v15 =	vor.u32 $0x100, v2;
	v14 =	vld [tilespmem:s10+$0x100];
	[tilespmem:v10+s14+$0x0] =	vst.idx.msk $0xffff, v16  }
0xe2: {  	v18 =	vor.u32 $0x100, v19;
	[tilespmem:v7+s14+$0x0] =	vst.idx.msk $0xffff, v11;
	v20 =	vld [tilespmem:s8+$0x100]  }
0xe3: {  	[tilespmem:v6+s14+$0x0] =	vst.idx.msk $0xffff, v17  }
0xe4: {  	s0 =	sor.u32 $0x380, s0;
	v6 =	vor.u32 $0x100, v21;
	[tilespmem:v13+s14+$0x0] =	vst.idx.msk $0xffff, v12;
	v22 =	vld [tilespmem:s12+$0x100]  }
0xe5: {  	v23 =	vor.u32 $0x380, v4;
	s1 =	sor.u32 $0x380, s1;
	v24 =	vld [tilespmem:s0+$0xC00];
	[tilespmem:v8+s14+$0x0] =	vst.idx.msk $0xffff, v5  }
0xe6: {  	v25 =	vor.u32 $0x380, v3;
	p1 =	por !p1, !p1;
	v3 =	vor.u32 $0x380, v19;
	s0 =	simm.s32 $0x1;
	v26 =	vld [tilespmem:s1+$0xC00];
	[tilespmem:v15+s14+$0x0] =	vst.idx.msk $0xffff, v14  }
0xe7: {  	s0 =	simm.s32 @!p1 $0x0;
	v11 =	vor.u32 $0x200, v19;
	v12 =	vor.u32 $0x180, v19;
	v15 =	vld [tilespmem:s3+$0x180];
	[tilespmem:v18+s14+$0x0] =	vst.idx.msk $0xffff, v20;
	v20 =	vor.u32 $0x180, v1  }
0xe8: {  	s29 =	sshll.u32 s21, $0x4;
	s0 =	sshll.u32 s0, $0x6;
	v8 =	vor.u32 $0x280, v19;
	v5 =	vor.u32 $0x300, v19;
	v19 =	vor.u32 $0x180, v2;
	v16 =	vld [tilespmem:s10+$0x180]  }
0xe9: {  	s31 =	sor.u32 $0x380, s26;
	s30 =	sadd.s32 $0x200, s0;
	s2 =	rddreg [dreg:$0x3];
	v17 =	vld [tilespmem:s8+$0x180];
	[tilespmem:v6+s14+$0x0] =	vst.idx.msk $0xffff, v22  }
0xea: {  	s26 =	simm.s32 $0x80;
	v4 =	vor.u32 $0x380, v21;
	s25 =	simm.s32 $0x4;
	v9 =	vor.u32 $0x380, v9;
	s0 =	sadd.s32 $0x20, s30;
	v13 =	vor.u32 $0x180, v21;
	[tilespmem:v23+s14+$0x0] =	vst.idx.msk $0xffff, v24;
	v18 =	vld [tilespmem:s12+$0x180]  }
0xeb: {  	v10 =	vor.u32 $0x200, v21;
	v7 =	vor.u32 $0x280, v21;
	s28 =	sadd.s32 $0x30, s30;
	s1 =	sadd.s32 $0x10, s30;
	v14 =	vld [tilespmem:s31+$0xC00];
	v6 =	vor.u32 $0x300, v21;
	[tilespmem:v25+s14+$0x0] =	vst.idx.msk $0xffff, v26;
	s22 =	sor.u32 s2, s29  }
.LBB2_5:
0xec: {  	v21 =	vld [tilespmem:s26+$0x0];
	s6 =	sor.u32 $0x200, s1;
	s7 =	sor.u32 $0x200, s0;
	[tilespmem:v20+s14+$0x0] =	vst.idx.msk $0xffff, v15;
	s8 =	sor.u32 $0x200, s28  }
0xed: {  	s9 =	sor.u32 $0x200, s30;
	s18 =	sor.u32 $0x280, s1;
	s23 =	sadd.s32 $0x40, s23;
	[tilespmem:v19+s14+$0x0] =	vst.idx.msk $0xffff, v16;
	v15 =	vld [tilespmem:s8+$0xC00];
	v16 =	vor.u32 $0x200, v1  }
0xee: {  	v20 =	vor.u32 $0x200, v2;
	s11 =	sor.u32 $0x280, s30;
	s12 =	sor.u32 $0x280, s0;
	s19 =	sand.u32 $0x40, s23;
	v19 =	vld [tilespmem:s9+$0xC00];
	[tilespmem:v12+s14+$0x0] =	vst.idx.msk $0xffff, v17  }
0xef: {  	s25 =	sadd.s32 $0x4, s25;
	s8 =	sand.u32 $0xF80, s23;
	s2 =	sor.u32 $0x30, s19;
	v12 =	vld [tilespmem:s6+$0xC00];
	[tilespmem:v13+s14+$0x0] =	vst.idx.msk $0xffff, v18  }
0xf0: {  	p2 =	slt.u32 s25, $0xB4;
	s6 =	sor.u32 $0x10, s19;
	s9 =	sor.u32 s2, s8;
	v13 =	vld [tilespmem:s7+$0xC00];
	[tilespmem:v9+s14+$0x0] =	vst.idx.msk $0xffff, v14  }
0xf1: {  	s10 =	sor.u32 $0x300, s1;
	s3 =	sor.u32 $0x20, s19;
	s7 =	sor.u32 s6, s8;
	v9 =	vld [tilespmem:s9+$0x0]  }
0xf2: {  	s29 =	sor.u32 $0x280, s28;
	v14 =	vld [tilespmem:s7+$0x0];
	s7 =	sor.u32 s3, s8;
	s8 =	sor.u32 $0x300, s0;
	[tilespmem:v16+s14+$0x0] =	vst.idx.msk $0xffff, v15  }
0xf3: {  	s1 =	sor.u32 $0x380, s1;
	s31 =	sor.u32 $0x380, s0;
	s9 =	sor.u32 $0x300, s30;
	v16 =	vor.u32 $0x280, v1;
	[tilespmem:v20+s14+$0x0] =	vst.idx.msk $0xffff, v19;
	v15 =	vld [tilespmem:s29+$0xC00]  }
0xf4: {  	s24 =	sadd.s32 $0x200, s24;
	s29 =	sor.u32 $0x380, s30;
	v17 =	vld [tilespmem:s7+$0x0];
	[tilespmem:v11+s14+$0x0] =	vst.idx.msk $0xffff, v12  }
0xf5: {  	s0 =	sand.u32 $0x7C00, s24;
	v11 =	vand.u32 $0x7F, v21;
	v12 =	vshll.u32 v21, $0x3;
	v18 =	vld [tilespmem:s18+$0xC00];
	[tilespmem:v10+s14+$0x0] =	vst.idx.msk $0xffff, v13  }
0xf6: {  	s18 =	sadd.s32 $0xC00, s0;
	v10 =	vand.u32 $0xFFFFFC00, v12;
	v13 =	vor.u32 $0x280, v2;
	v12 =	vshll.u32 v9, $0x3;
	v19 =	vld [tilespmem:s12+$0xC00]  }
0xf7: {  	s30 =	sor.u32 s19, s18;
	s0 =	sor.u32 s6, s18;
	s7 =	sor.u32 s2, s18;
	v9 =	vand.u32 $0x7F, v9;
	v20 =	vshll.u32 v14, $0x3;
	v12 =	vand.u32 $0xFFFFFC00, v12;
	v21 =	vld [tilespmem:s11+$0xC00]  }
0xf8: {  	s6 =	sor.u32 s3, s18;
	s2 =	sor.u32 $0x300, s28;
	v14 =	vand.u32 $0x7F, v14;
	v20 =	vand.u32 $0xFFFFFC00, v20;
	v22 =	vld [tilespmem:s7+$0x0];
	v9 =	vor.u32 v9, v12;
	[tilespmem:v16+s14+$0x0] =	vst.idx.msk $0xffff, v15  }
0xf9: {  	v12 =	vand.u32 $0x7F, v17;
	v15 =	vshll.u32 v17, $0x3;
	v16 =	vld [tilespmem:s2+$0xC00];
	v17 =	vor.u32 $0x300, v1  }
0xfa: {  	v24 =	vor.u32 v11, v10;
	v14 =	vor.u32 v14, v20;
	v23 =	vld [tilespmem:s30+$0x0];
	v10 =	vand.u32 $0xFFFFFC00, v15;
	[tilespmem:v8+s14+$0x0] =	vst.idx.msk $0xffff, v18  }
0xfb: {  	v18 =	vor.u32 $0x80, v14;
	v25 =	vor.u32 $0x100, v14;
	v15 =	vld [tilespmem:s0+$0x0];
	v20 =	vor.u32 v12, v10;
	[tilespmem:v7+s14+$0x0] =	vst.idx.msk $0xffff, v19  }
0xfc: {  	v12 =	vor.u32 $0x180, v14;
	v19 =	vld [tilespmem:s6+$0x0];
	v26 =	vor.u32 $0x80, v20;
	v27 =	vor.u32 $0x100, v20;
	[tilespmem:v13+s14+$0x0] =	vst.idx.msk $0xffff, v21  }
0xfd: {  	v11 =	vor.u32 $0x200, v14;
	v13 =	vor.u32 $0x180, v20;
	v10 =	vor.u32 $0x200, v20;
	[tilespmem:v9+s14+$0x0] =	vst.idx.msk $0xffff, v22;
	v21 =	vld [tilespmem:s10+$0xC00]  }
0xfe: {  	v28 =	vor.u32 $0x80, v9;
	s2 =	sor.u32 $0x380, s28;
	v8 =	vor.u32 $0x280, v14;
	v7 =	vor.u32 $0x280, v20;
	v22 =	vld [tilespmem:s7+$0x80];
	[tilespmem:v17+s14+$0x0] =	vst.idx.msk $0xffff, v16  }
0xff: {  	v29 =	vor.u32 $0x380, v1;
	v1 =	vmovc v9;
	v16 =	vor.u32 $0x300, v14;
	v17 =	vor.u32 $0x300, v20;
	[tilespmem:v24+s14+$0x0] =	vst.idx.msk $0xffff, v23;
	v23 =	vld [tilespmem:s2+$0xC00]  }
0x100: {  	v30 =	vor.u32 $0x80, v24;
	v31 =	vor.u32 $0x380, v20;
	v9 =	vld [tilespmem:s30+$0x80];
	[tilespmem:v14+s14+$0x0] =	vst.idx.msk $0xffff, v15;
	v14 =	vor.u32 $0x380, v14  }
0x101: {  	v15 =	vld [tilespmem:s0+$0x80];
	[tilespmem:v20+s14+$0x0] =	vst.idx.msk $0xffff, v19  }
0x102: {  	v19 =	vld [tilespmem:s6+$0x80];
	[tilespmem:v5+s14+$0x0] =	vst.idx.msk $0xffff, v21;
	v5 =	vmov v16  }
0x103: {  	[tilespmem:v28+s14+$0x0] =	vst.idx.msk $0xffff, v22;
	v16 =	vld [tilespmem:s8+$0xC00]  }
0x104: {  	v21 =	vor.u32 $0x300, v2;
	v20 =	vld [tilespmem:s9+$0xC00];
	[tilespmem:v29+s14+$0x0] =	vst.idx.msk $0xffff, v23  }
0x105: {  	v22 =	vor.u32 $0x100, v1;
	[tilespmem:v30+s14+$0x0] =	vst.idx.msk $0xffff, v9;
	v9 =	vld [tilespmem:s7+$0x100]  }
0x106: {  	v28 =	vor.u32 $0x100, v24;
	v23 =	vld [tilespmem:s30+$0x100];
	[tilespmem:v18+s14+$0x0] =	vst.idx.msk $0xffff, v15  }
0x107: {  	v18 =	vld [tilespmem:s0+$0x100];
	[tilespmem:v26+s14+$0x0] =	vst.idx.msk $0xffff, v19  }
0x108: {  	v26 =	vld [tilespmem:s6+$0x100];
	[tilespmem:v6+s14+$0x0] =	vst.idx.msk $0xffff, v16;
	v6 =	vmov v17  }
0x109: {  	[tilespmem:v21+s14+$0x0] =	vst.idx.msk $0xffff, v20;
	v21 =	vld [tilespmem:s1+$0xC00]  }
0x10a: {  	[tilespmem:v22+s14+$0x0] =	vst.idx.msk $0xffff, v9;
	v22 =	vld [tilespmem:s31+$0xC00]  }
.Ltmp3:
0x10b: {  	p1 =	por !p1, !p1;
	v20 =	vor.u32 $0x180, v1;
	s1 =	simm.s32 $0x1;
	[tilespmem:v28+s14+$0x0] =	vst.idx.msk $0xffff, v23;
	v15 =	vld [tilespmem:s7+$0x180];
	(pc) =	sbr.rel @p2 .LBB2_5-.Ltmp3, $4  }
0x10c: {  	v19 =	vor.u32 $0x180, v24;
	s1 =	simm.s32 @!p1 $0x0;
	v16 =	vld [tilespmem:s30+$0x180];
	[tilespmem:v25+s14+$0x0] =	vst.idx.msk $0xffff, v18  }
0x10d: {  	s1 =	sshll.u32 s1, $0x6;
	v17 =	vld [tilespmem:s0+$0x180];
	[tilespmem:v27+s14+$0x0] =	vst.idx.msk $0xffff, v26  }
0x10e: {  	s26 =	sadd.s32 $0x40, s26;
	s30 =	sadd.s32 s1, s24;
	v18 =	vld [tilespmem:s6+$0x180];
	[tilespmem:v3+s14+$0x0] =	vst.idx.msk $0xffff, v21;
	v3 =	vmov v14  }
0x10f: {  	v9 =	vor.u32 $0x380, v2;
	v2 =	vmov v24;
	s1 =	sadd.s32 $0x10, s30;
	s0 =	sadd.s32 $0x20, s30;
	s28 =	sadd.s32 $0x30, s30;
	v14 =	vld [tilespmem:s29+$0xC00];
	[tilespmem:v4+s14+$0x0] =	vst.idx.msk $0xffff, v22;
	v4 =	vmov v31  }
0x110: {  	_ =	sdelay $0x3  }
0x111: {  	[tilespmem:v20+s14+$0x0] =	vst.idx.msk $0xffff, v15;
	s2 =	sor.u32 $0x200, s28  }
0x112: {  	v52 =	vor.u32 $0x200, v1;
	s9 =	sor.u32 $0x200, s30;
	v15 =	vld [tilespmem:s2+$0xC00];
	[tilespmem:v19+s14+$0x0] =	vst.idx.msk $0xffff, v16  }
0x113: {  	s3 =	sor.u32 $0x200, s1;
	v53 =	vor.u32 $0x200, v2;
	[tilespmem:v12+s14+$0x0] =	vst.idx.msk $0xffff, v17;
	v16 =	vld [tilespmem:s9+$0xC00]  }
0x114: {  	s8 =	sor.u32 $0x200, s0;
	v12 =	vld [tilespmem:s3+$0xC00];
	[tilespmem:v13+s14+$0x0] =	vst.idx.msk $0xffff, v18  }
0x115: {  	v13 =	vld [tilespmem:s8+$0xC00];
	_ =	sdelay $0x1  }
0x116: {  	s10 =	sor.u32 $0x280, s28;
	[tilespmem:v52+s14+$0x0] =	vst.idx.msk $0xffff, v15  }
0x117: {  	v54 =	vor.u32 $0x280, v1;
	s18 =	sor.u32 $0x280, s30;
	v15 =	vld [tilespmem:s10+$0xC00];
	[tilespmem:v53+s14+$0x0] =	vst.idx.msk $0xffff, v16  }
0x118: {  	s11 =	sor.u32 $0x280, s1;
	v55 =	vor.u32 $0x280, v2;
	[tilespmem:v11+s14+$0x0] =	vst.idx.msk $0xffff, v12;
	v56 =	vld [tilespmem:s18+$0xC00]  }
0x119: {  	s12 =	sor.u32 $0x280, s0;
	v11 =	vld [tilespmem:s11+$0xC00];
	[tilespmem:v10+s14+$0x0] =	vst.idx.msk $0xffff, v13  }
0x11a: {  	v10 =	vld [tilespmem:s12+$0xC00];
	_ =	sdelay $0x1  }
0x11b: {  	s19 =	sor.u32 $0x300, s28;
	[tilespmem:v54+s14+$0x0] =	vst.idx.msk $0xffff, v15  }
0x11c: {  	v57 =	vor.u32 $0x300, v1;
	s25 =	sor.u32 $0x300, s30;
	v15 =	vld [tilespmem:s19+$0xC00];
	[tilespmem:v55+s14+$0x0] =	vst.idx.msk $0xffff, v56  }
0x11d: {  	s23 =	sor.u32 $0x300, s1;
	v61 =	vor.u32 $0x300, v2;
	[tilespmem:v8+s14+$0x0] =	vst.idx.msk $0xffff, v11;
	v60 =	vld [tilespmem:s25+$0xC00]  }
0x11e: {  	s24 =	sor.u32 $0x300, s0;
	[tilespmem:v7+s14+$0x0] =	vst.idx.msk $0xffff, v10;
	v58 =	vld [tilespmem:s23+$0xC00]  }
0x11f: {  	v59 =	vld [tilespmem:s24+$0xC00];
	_ =	sdelay $0x1  }
0x120: {  	s26 =	sor.u32 $0x380, s28;
	[tilespmem:v57+s14+$0x0] =	vst.idx.msk $0xffff, v15  }
0x121: {  	v1 =	vor.u32 $0x380, v1;
	s31 =	sor.u32 $0x380, s30;
	v62 =	vld [tilespmem:s26+$0xC00];
	[tilespmem:v61+s14+$0x0] =	vst.idx.msk $0xffff, v60  }
0x122: {  	s28 =	sor.u32 $0x380, s1;
	v2 =	vor.u32 $0x380, v2;
	[tilespmem:v5+s14+$0x0] =	vst.idx.msk $0xffff, v58;
	v63 =	vld [tilespmem:s31+$0xC00]  }
0x123: {  	s29 =	sor.u32 $0x380, s0;
	[tilespmem:v6+s14+$0x0] =	vst.idx.msk $0xffff, v59;
	v5 =	vld [tilespmem:s28+$0xC00]  }
0x124: {  	v6 =	vld [tilespmem:s29+$0xC00]  }
0x125: {  	[tilespmem:v9+s14+$0x0] =	vst.idx.msk $0xffff, v14  }
0x126: {  	[tilespmem:v1+s14+$0x0] =	vst.idx.msk $0xffff, v62  }
0x127: {  	[tilespmem:v2+s14+$0x0] =	vst.idx.msk $0xffff, v63  }
0x128: {  	[tilespmem:v3+s14+$0x0] =	vst.idx.msk $0xffff, v5  }
0x129: {  	s0 =	simm.s32 $0x2E00;
	s1 =	simm.s32 $0x5C00;
	s6 =	simm.s32 $0x5C00;
	[tilespmem:v4+s14+$0x0] =	vst.idx.msk $0xffff, v6  }
.LBB2_7:
0x12a: {  	s2 =	sshra.s32 s0, $0x2  }
0x12b: {  	v1 =	vld [tilespmem:s2+$0x0];
	_ =	sdelay $0x4  }
0x12c: {  	s3 =	sand.u32 $0x3FFFFC00, s1;
	v2 =	vshll.u32 v1, $0x3  }
0x12d: {  	s2 =	sadd.s32 s2, s3;
	v1 =	vand.u32 $0x7F, v1;
	v2 =	vand.u32 $0xFFFFFC00, v2  }
0x12e: {  	v3 =	vld [tilespmem:s2+$0x80];
	v1 =	vor.u32 v1, v2;
	_ =	sdelay $0x4  }
0x12f: {  	[tilespmem:v1+s14+$0x0] =	vst.idx.msk $0xffff, v3  }
0x130: {  	v3 =	vor.u32 $0x80, v1;
	v2 =	vld [tilespmem:s2+$0x100];
	_ =	sdelay $0x4  }
0x131: {  	[tilespmem:v3+s14+$0x0] =	vst.idx.msk $0xffff, v2  }
0x132: {  	v3 =	vor.u32 $0x100, v1;
	v2 =	vld [tilespmem:s2+$0x180];
	_ =	sdelay $0x4  }
0x133: {  	[tilespmem:v3+s14+$0x0] =	vst.idx.msk $0xffff, v2  }
0x134: {  	v3 =	vor.u32 $0x180, v1;
	v2 =	vld [tilespmem:s2+$0x200];
	_ =	sdelay $0x4  }
0x135: {  	[tilespmem:v3+s14+$0x0] =	vst.idx.msk $0xffff, v2  }
0x136: {  	v3 =	vor.u32 $0x200, v1;
	v2 =	vld [tilespmem:s2+$0x280];
	_ =	sdelay $0x4  }
0x137: {  	[tilespmem:v3+s14+$0x0] =	vst.idx.msk $0xffff, v2  }
0x138: {  	v3 =	vor.u32 $0x280, v1;
	v2 =	vld [tilespmem:s2+$0x300];
	_ =	sdelay $0x4  }
0x139: {  	[tilespmem:v3+s14+$0x0] =	vst.idx.msk $0xffff, v2  }
0x13a: {  	v3 =	vor.u32 $0x300, v1;
	v2 =	vld [tilespmem:s2+$0x380];
	_ =	sdelay $0x4  }
0x13b: {  	s31 =	sor.u32 $0x380, s6;
	[tilespmem:v3+s14+$0x0] =	vst.idx.msk $0xffff, v2  }
0x13c: {  	p1 =	sne.s32 s0, $0x2E80;
	v1 =	vor.u32 $0x380, v1;
	v2 =	vld [tilespmem:s31+$0xC00]  }
.Ltmp4:
0x13d: {  	_ = 	snop;
	(pc) =	sbr.rel @p1 .LBB2_7-.Ltmp4, $2  }
0x13e: {  	_ =	sdelay $0x2  }
0x13f: {  	s6 =	sadd.s32 $0x90, s6;
	s1 =	sadd.s32 $0x80, s1;
	s0 =	sadd.s32 $0x40, s0;
	[tilespmem:v1+s14+$0x0] =	vst.idx.msk $0xffff, v2  }
0x140: {  	v1 =	vld [tilespmem:$0xBA8];
	_ =	sdelay $0x4  }
0x141: {  	v2 =	vshll.u32 v1, $0x3  }
0x142: {  	v1 =	vand.u32 $0x7F, v1;
	v2 =	vand.u32 $0xFFFFFC00, v2  }
0x143: {  	v3 =	vld [tilespmem:$0x6828];
	v1 =	vor.u32 v1, v2;
	_ =	sdelay $0x4  }
0x144: {  	[tilespmem:v1+s14+$0x0] =	vst.idx.msk vm0, v3  }
0x145: {  	v3 =	vor.u32 $0x80, v1;
	v2 =	vld [tilespmem:$0x68A8];
	_ =	sdelay $0x4  }
0x146: {  	[tilespmem:v3+s14+$0x0] =	vst.idx.msk vm0, v2  }
0x147: {  	v3 =	vor.u32 $0x100, v1;
	v2 =	vld [tilespmem:$0x6928];
	_ =	sdelay $0x4  }
0x148: {  	[tilespmem:v3+s14+$0x0] =	vst.idx.msk vm0, v2  }
0x149: {  	v3 =	vor.u32 $0x180, v1;
	v2 =	vld [tilespmem:$0x69A8];
	_ =	sdelay $0x4  }
0x14a: {  	[tilespmem:v3+s14+$0x0] =	vst.idx.msk vm0, v2  }
0x14b: {  	v3 =	vor.u32 $0x200, v1;
	v2 =	vld [tilespmem:$0x6A28];
	_ =	sdelay $0x4  }
0x14c: {  	[tilespmem:v3+s14+$0x0] =	vst.idx.msk vm0, v2  }
0x14d: {  	v3 =	vor.u32 $0x280, v1;
	v2 =	vld [tilespmem:$0x6AA8];
	_ =	sdelay $0x4  }
0x14e: {  	[tilespmem:v3+s14+$0x0] =	vst.idx.msk vm0, v2  }
0x14f: {  	v3 =	vor.u32 $0x300, v1;
	v2 =	vld [tilespmem:$0x6B28];
	_ =	sdelay $0x4  }
0x150: {  	[tilespmem:v3+s14+$0x0] =	vst.idx.msk vm0, v2  }
0x151: {  	v1 =	vor.u32 $0x380, v1;
	v2 =	vld [tilespmem:$0x6BA8]  }
0x152: {  	p1 =	sne.s32 s21, $0x1F  }
.Ltmp5:
0x153: {  	_ = 	snop;
	(pc) =	sbr.rel @p1 .LBB2_10-.Ltmp5, $4  }
0x154: {  	_ = 	snop  }
0x155: {  	s23 =	sshll.u32 s22, $0x9;
	s0 =	rddreg [dreg:$0x1]  }
0x156: {  	s0 =	sadd.s32 s0, s23;
	[tilespmem:v1+s14+$0x0] =	vst.idx.msk vm0, v2  }
0x157: {  	[hbm4b:s0+s4] =	stream.linear.scatter [tilespmem:s14], [sflag:$0x3], $0x8000, $0x38;
	[tilespmem:$0x1CC00] =	vst v63  }
.Ltmp6:
0x158: {  	(pc) =	sbr.rel .LBB2_11-.Ltmp6, $4  }
0x159: {  	_ = 	snop  }
0x15a: {  	_ =	swait.ge [sflag:s15], $0x6000  }
0x15b: {  	[sflag:s15] =	ssyncset.done $0x0  }
0x15c: {  	[sflag:s15] =	ssyncadd.s32 $0xFFFFA000  }
.LBB2_10:
0x15d: {  	s0 =	sshrl.u32 s22, $0x3  }
0x15e: {  	s0 =	smul.u32 $0xC00, s0;
	_ =	sdelay $0x1  }
0x15f: {  	s0 =	sadd.s32 s5, s0  }
.Ltmp7:
0x160: {  	s1 =	simm.s32 $0xC00;
	s0 =	sadd.s32 $0x1800, s0;
	(pc) =	sbr.rel @p0 .LBB2_12-.Ltmp7, $4  }
0x161: {  	[tilespmem:s1], [sflag:$0x1] =	stream.linear.gather [hbm4b:s0+s4], $0x6000, $0x38;
	[tilespmem:$0x1CC00] =	vst v63  }
0x162: {  	_ =	swait.ge [sflag:s15], $0x6000  }
0x163: {  	[sflag:s15] =	ssyncset.done $0x0  }
0x164: {  	[sflag:s15] =	ssyncadd.s32 $0xFFFFA000  }
.LBB2_11:
0x165: {  	_ =	swait.ge [sflag:s16], $0x8000  }
0x166: {  	[sflag:s16] =	ssyncset.done $0x0  }
0x167: {  	[sflag:s16] =	ssyncadd.s32 $0xFFFF8000  }
.LBB2_12:
0x168: {  	s0 =	simm.s32 $0x0  }
0x169: {  	s1 =	sand.u32 $0x40, s0  }
0x16a: {  	s2 =	sand.u32 $0xF80, s0;
	s3 =	sor.u32 $0x30, s1  }
0x16b: {  	v1 =	vld [tilespmem:s0+$0x0];
	s6 =	sor.u32 s3, s2  }
0x16c: {  	s7 =	sor.u32 $0x10, s1;
	v2 =	vld [tilespmem:s6+$0x0]  }
0x16d: {  	s30 =	sor.u32 s7, s2  }
0x16e: {  	s8 =	sor.u32 $0x20, s1;
	v3 =	vld [tilespmem:s30+$0x0]  }
0x16f: {  	s2 =	sor.u32 s8, s2  }
0x170: {  	s0 =	sand.u32 $0x7C00, s0;
	v4 =	vld [tilespmem:s2+$0x0]  }
0x171: {  	s0 =	sadd.s32 $0x6C00, s0;
	v6 =	vand.u32 $0x7F, v1;
	v5 =	vshll.u32 v2, $0x3  }
0x172: {  	s9 =	sor.u32 s3, s0;
	v1 =	vshll.u32 v1, $0x3;
	v2 =	vand.u32 $0x7F, v2;
	v5 =	vand.u32 $0xFFFFFC00, v5  }
0x173: {  	v8 =	vld [tilespmem:s9+$0x0];
	v1 =	vand.u32 $0xFFFFFC00, v1;
	v7 =	vshll.u32 v3, $0x3;
	v5 =	vor.u32 v2, v5  }
0x174: {  	s10 =	sor.u32 s7, s0;
	v9 =	vor.u32 v6, v1;
	v3 =	vand.u32 $0x7F, v3;
	v2 =	vand.u32 $0xFFFFFC00, v7  }
0x175: {  	s1 =	sor.u32 s1, s0;
	v6 =	vld [tilespmem:s10+$0x0];
	v1 =	vand.u32 $0x7F, v4;
	v7 =	vshll.u32 v4, $0x3;
	v4 =	vor.u32 v3, v2  }
0x176: {  	s0 =	sor.u32 s8, s0;
	v10 =	vld [tilespmem:s1+$0x0];
	v2 =	vand.u32 $0xFFFFFC00, v7  }
0x177: {  	v3 =	vor.u32 v1, v2;
	v1 =	vld [tilespmem:s0+$0x0]  }
0x178: {  	[tilespmem:v5+s17+$0x0] =	vst.idx.msk $0xffff, v8  }
0x179: {  	v7 =	vor.u32 $0x80, v5;
	v2 =	vld [tilespmem:s9+$0x80]  }
0x17a: {  	[tilespmem:v4+s17+$0x0] =	vst.idx.msk $0xffff, v6  }
0x17b: {  	[tilespmem:v9+s17+$0x0] =	vst.idx.msk $0xffff, v10;
	v6 =	vor.u32 $0x80, v4;
	v11 =	vld [tilespmem:s10+$0x80]  }
0x17c: {  	v10 =	vor.u32 $0x80, v9;
	v8 =	vld [tilespmem:s1+$0x80];
	[tilespmem:v3+s17+$0x0] =	vst.idx.msk $0xffff, v1  }
0x17d: {  	v1 =	vor.u32 $0x80, v3;
	v12 =	vld [tilespmem:s0+$0x80]  }
0x17e: {  	[tilespmem:v7+s17+$0x0] =	vst.idx.msk $0xffff, v2  }
0x17f: {  	v7 =	vor.u32 $0x100, v5;
	v2 =	vld [tilespmem:s9+$0x100]  }
0x180: {  	[tilespmem:v6+s17+$0x0] =	vst.idx.msk $0xffff, v11  }
0x181: {  	[tilespmem:v10+s17+$0x0] =	vst.idx.msk $0xffff, v8;
	v6 =	vor.u32 $0x100, v4;
	v11 =	vld [tilespmem:s10+$0x100]  }
0x182: {  	v10 =	vor.u32 $0x100, v9;
	v8 =	vld [tilespmem:s1+$0x100];
	[tilespmem:v1+s17+$0x0] =	vst.idx.msk $0xffff, v12  }
0x183: {  	v1 =	vor.u32 $0x100, v3;
	v12 =	vld [tilespmem:s0+$0x100]  }
0x184: {  	[tilespmem:v7+s17+$0x0] =	vst.idx.msk $0xffff, v2  }
0x185: {  	p0 =	por $0x0, $0x0;
	s2 =	simm.s32 $0x1;
	v7 =	vor.u32 $0x180, v5;
	v2 =	vld [tilespmem:s9+$0x180]  }
0x186: {  	s2 =	simm.s32 @!p0 $0x0;
	[tilespmem:v6+s17+$0x0] =	vst.idx.msk $0xffff, v11  }
0x187: {  	s11 =	sshll.u32 s2, $0x6;
	[tilespmem:v10+s17+$0x0] =	vst.idx.msk $0xffff, v8;
	v6 =	vor.u32 $0x180, v4;
	v11 =	vld [tilespmem:s10+$0x180]  }
0x188: {  	s24 =	simm.s32 $0x40;
	s28 =	sadd.s32 $0x0, s11;
	v10 =	vor.u32 $0x180, v9;
	v8 =	vld [tilespmem:s1+$0x180];
	[tilespmem:v1+s17+$0x0] =	vst.idx.msk $0xffff, v12  }
0x189: {  	s8 =	sand.u32 $0x40, s24;
	s6 =	sadd.s32 $0x30, s28;
	v1 =	vor.u32 $0x180, v3;
	v12 =	vld [tilespmem:s0+$0x180]  }
0x18a: {  	v13 =	vld [tilespmem:s24+$0x0];
	s26 =	sand.u32 $0xF80, s24;
	s12 =	sor.u32 $0x200, s6;
	s9 =	sor.u32 $0x30, s8;
	[tilespmem:v7+s17+$0x0] =	vst.idx.msk $0xffff, v2  }
0x18b: {  	s10 =	sor.u32 s9, s26;
	s0 =	sadd.s32 $0x10, s28;
	v7 =	vor.u32 $0x200, v5;
	v2 =	vld [tilespmem:s12+$0x6C00]  }
0x18c: {  	v14 =	vld [tilespmem:s10+$0x0];
	s19 =	sor.u32 $0x200, s0;
	[tilespmem:v6+s17+$0x0] =	vst.idx.msk $0xffff, v11  }
0x18d: {  	s18 =	sor.u32 $0x200, s28;
	s1 =	sadd.s32 $0x20, s28;
	[tilespmem:v10+s17+$0x0] =	vst.idx.msk $0xffff, v8;
	v6 =	vor.u32 $0x200, v4;
	v10 =	vld [tilespmem:s19+$0x6C00]  }
0x18e: {  	s11 =	sor.u32 $0x20, s8;
	s25 =	sor.u32 $0x200, s1;
	v8 =	vld [tilespmem:s18+$0x6C00];
	[tilespmem:v1+s17+$0x0] =	vst.idx.msk $0xffff, v12;
	v12 =	vor.u32 $0x200, v9  }
0x18f: {  	s7 =	sor.u32 s11, s26;
	v1 =	vor.u32 $0x200, v3;
	v11 =	vld [tilespmem:s25+$0x6C00]  }
0x190: {  	s3 =	sor.u32 $0x10, s8;
	v16 =	vld [tilespmem:s7+$0x0];
	s12 =	sor.u32 $0x280, s6;
	[tilespmem:v7+s17+$0x0] =	vst.idx.msk $0xffff, v2  }
0x191: {  	s30 =	sor.u32 s3, s26;
	v7 =	vor.u32 $0x280, v5;
	v2 =	vld [tilespmem:s12+$0x6C00]  }
0x192: {  	v15 =	vld [tilespmem:s30+$0x0];
	s18 =	sor.u32 $0x280, s0;
	s25 =	simm.s32 $0x200;
	[tilespmem:v6+s17+$0x0] =	vst.idx.msk $0xffff, v10  }
0x193: {  	s30 =	sor.u32 $0x280, s28;
	s26 =	sand.u32 $0x7C00, s25;
	v6 =	vor.u32 $0x280, v4;
	[tilespmem:v12+s17+$0x0] =	vst.idx.msk $0xffff, v8;
	v10 =	vld [tilespmem:s18+$0x6C00]  }
0x194: {  	v17 =	vor.u32 $0x280, v9;
	s19 =	sor.u32 $0x280, s1;
	s12 =	sadd.s32 $0x6C00, s26;
	v8 =	vshll.u32 v14, $0x3;
	v14 =	vand.u32 $0x7F, v14;
	[tilespmem:v1+s17+$0x0] =	vst.idx.msk $0xffff, v11;
	v18 =	vld [tilespmem:s30+$0x6C00]  }
0x195: {  	v11 =	vor.u32 $0x280, v3;
	v1 =	vshll.u32 v13, $0x3;
	s9 =	sor.u32 s9, s12;
	v8 =	vand.u32 $0xFFFFFC00, v8;
	v12 =	vld [tilespmem:s19+$0x6C00]  }
0x196: {  	v21 =	vshll.u32 v16, $0x3;
	s30 =	sor.u32 $0x300, s6;
	v19 =	vand.u32 $0xFFFFFC00, v1;
	v20 =	vld [tilespmem:s9+$0x0];
	v1 =	vor.u32 v14, v8;
	[tilespmem:v7+s17+$0x0] =	vst.idx.msk $0xffff, v2  }
0x197: {  	v13 =	vand.u32 $0x7F, v13;
	s10 =	sor.u32 s8, s12;
	v14 =	vor.u32 $0x300, v5;
	v2 =	vshll.u32 v15, $0x3;
	v8 =	vld [tilespmem:s30+$0x6C00]  }
0x198: {  	s8 =	sor.u32 s3, s12;
	v22 =	vld [tilespmem:s10+$0x0];
	v7 =	vand.u32 $0x7F, v15;
	v15 =	vand.u32 $0xFFFFFC00, v2;
	v2 =	vor.u32 v13, v19;
	[tilespmem:v6+s17+$0x0] =	vst.idx.msk $0xffff, v10  }
0x199: {  	s11 =	sor.u32 s11, s12;
	v6 =	vand.u32 $0x7F, v16;
	v10 =	vld [tilespmem:s8+$0x0];
	[tilespmem:v17+s17+$0x0] =	vst.idx.msk $0xffff, v18;
	v19 =	vor.u32 v7, v15;
	v7 =	vand.u32 $0xFFFFFC00, v21  }
0x19a: {  	s12 =	sor.u32 $0x300, s0;
	[tilespmem:v11+s17+$0x0] =	vst.idx.msk $0xffff, v12;
	v21 =	vor.u32 v6, v7;
	v6 =	vld [tilespmem:s11+$0x0]  }
0x19b: {  	[tilespmem:v1+s17+$0x0] =	vst.idx.msk $0xffff, v20;
	v11 =	vld [tilespmem:s12+$0x6C00];
	v7 =	vor.u32 $0x300, v4  }
0x19c: {  	s18 =	sor.u32 $0x380, s6;
	v13 =	vor.u32 $0x80, v1;
	v12 =	vld [tilespmem:s9+$0x80];
	[tilespmem:v14+s17+$0x0] =	vst.idx.msk $0xffff, v8  }
0x19d: {  	v5 =	vor.u32 $0x380, v5;
	[tilespmem:v2+s17+$0x0] =	vst.idx.msk $0xffff, v22;
	v8 =	vld [tilespmem:s18+$0x6C00]  }
0x19e: {  	v15 =	vor.u32 $0x80, v2;
	v14 =	vld [tilespmem:s10+$0x80];
	[tilespmem:v19+s17+$0x0] =	vst.idx.msk $0xffff, v10  }
0x19f: {  	s19 =	sor.u32 $0x300, s1;
	v10 =	vor.u32 $0x80, v19;
	v16 =	vld [tilespmem:s8+$0x80];
	[tilespmem:v21+s17+$0x0] =	vst.idx.msk $0xffff, v6  }
0x1a0: {  	[tilespmem:v7+s17+$0x0] =	vst.idx.msk $0xffff, v11;
	v7 =	vor.u32 $0x300, v3;
	v11 =	vld [tilespmem:s19+$0x6C00]  }
0x1a1: {  	s26 =	sor.u32 $0x300, s28;
	v6 =	vor.u32 $0x80, v21;
	[tilespmem:v13+s17+$0x0] =	vst.idx.msk $0xffff, v12;
	v17 =	vld [tilespmem:s11+$0x80]  }
0x1a2: {  	v12 =	vld [tilespmem:s26+$0x6C00];
	v13 =	vor.u32 $0x300, v9;
	[tilespmem:v5+s17+$0x0] =	vst.idx.msk $0xffff, v8  }
0x1a3: {  	[tilespmem:v15+s17+$0x0] =	vst.idx.msk $0xffff, v14;
	v5 =	vld [tilespmem:s9+$0x100];
	v8 =	vor.u32 $0x100, v1  }
0x1a4: {  	v15 =	vor.u32 $0x100, v2;
	v14 =	vld [tilespmem:s10+$0x100];
	[tilespmem:v10+s17+$0x0] =	vst.idx.msk $0xffff, v16  }
0x1a5: {  	v18 =	vor.u32 $0x100, v19;
	[tilespmem:v7+s17+$0x0] =	vst.idx.msk $0xffff, v11;
	v20 =	vld [tilespmem:s8+$0x100]  }
0x1a6: {  	[tilespmem:v6+s17+$0x0] =	vst.idx.msk $0xffff, v17  }
0x1a7: {  	s0 =	sor.u32 $0x380, s0;
	[tilespmem:v13+s17+$0x0] =	vst.idx.msk $0xffff, v12;
	v6 =	vor.u32 $0x100, v21;
	v22 =	vld [tilespmem:s11+$0x100]  }
0x1a8: {  	v23 =	vor.u32 $0x380, v4;
	s1 =	sor.u32 $0x380, s1;
	v24 =	vld [tilespmem:s0+$0x6C00];
	[tilespmem:v8+s17+$0x0] =	vst.idx.msk $0xffff, v5  }
0x1a9: {  	v25 =	vor.u32 $0x380, v3;
	v3 =	vor.u32 $0x380, v19;
	v26 =	vld [tilespmem:s1+$0x6C00];
	[tilespmem:v15+s17+$0x0] =	vst.idx.msk $0xffff, v14  }
0x1aa: {  	p0 =	por !p0, !p0;
	s0 =	simm.s32 $0x1;
	v12 =	vor.u32 $0x180, v19;
	v11 =	vor.u32 $0x200, v19;
	v15 =	vld [tilespmem:s9+$0x180];
	[tilespmem:v18+s17+$0x0] =	vst.idx.msk $0xffff, v20;
	v20 =	vor.u32 $0x180, v1  }
0x1ab: {  	s0 =	simm.s32 @!p0 $0x0;
	v8 =	vor.u32 $0x280, v19;
	v5 =	vor.u32 $0x300, v19;
	v19 =	vor.u32 $0x180, v2;
	v16 =	vld [tilespmem:s10+$0x180]  }
0x1ac: {  	s30 =	sor.u32 $0x380, s28;
	s0 =	sshll.u32 s0, $0x6;
	v17 =	vld [tilespmem:s8+$0x180];
	[tilespmem:v6+s17+$0x0] =	vst.idx.msk $0xffff, v22  }
0x1ad: {  	s28 =	simm.s32 $0x80;
	v4 =	vor.u32 $0x380, v21;
	s26 =	simm.s32 $0x4;
	v9 =	vor.u32 $0x380, v9;
	s31 =	sadd.s32 $0x200, s0;
	v13 =	vor.u32 $0x180, v21;
	[tilespmem:v23+s17+$0x0] =	vst.idx.msk $0xffff, v24;
	v18 =	vld [tilespmem:s11+$0x180]  }
0x1ae: {  	v10 =	vor.u32 $0x200, v21;
	v7 =	vor.u32 $0x280, v21;
	s0 =	sadd.s32 $0x10, s31;
	s29 =	sadd.s32 $0x30, s31;
	s1 =	sadd.s32 $0x20, s31;
	v14 =	vld [tilespmem:s30+$0x6C00];
	[tilespmem:v25+s17+$0x0] =	vst.idx.msk $0xffff, v26;
	v6 =	vor.u32 $0x300, v21  }
.LBB2_13:
0x1af: {  	v21 =	vld [tilespmem:s28+$0x0];
	s2 =	sor.u32 $0x200, s0;
	s3 =	sor.u32 $0x200, s1;
	[tilespmem:v20+s17+$0x0] =	vst.idx.msk $0xffff, v15;
	s6 =	sor.u32 $0x200, s29  }
0x1b0: {  	s7 =	sor.u32 $0x200, s31;
	s8 =	sor.u32 $0x280, s0;
	s24 =	sadd.s32 $0x40, s24;
	[tilespmem:v19+s17+$0x0] =	vst.idx.msk $0xffff, v16;
	v15 =	vld [tilespmem:s6+$0x6C00];
	v16 =	vor.u32 $0x200, v1  }
0x1b1: {  	v20 =	vor.u32 $0x200, v2;
	s11 =	sor.u32 $0x280, s31;
	s10 =	sor.u32 $0x280, s1;
	s6 =	sand.u32 $0x40, s24;
	v19 =	vld [tilespmem:s7+$0x6C00];
	[tilespmem:v12+s17+$0x0] =	vst.idx.msk $0xffff, v17  }
0x1b2: {  	s26 =	sadd.s32 $0x4, s26;
	s7 =	sand.u32 $0xF80, s24;
	s12 =	sor.u32 $0x30, s6;
	v12 =	vld [tilespmem:s2+$0x6C00];
	[tilespmem:v13+s17+$0x0] =	vst.idx.msk $0xffff, v18  }
0x1b3: {  	p1 =	slt.u32 s26, $0xB4;
	s2 =	sor.u32 $0x10, s6;
	s9 =	sor.u32 s12, s7;
	v13 =	vld [tilespmem:s3+$0x6C00];
	[tilespmem:v9+s17+$0x0] =	vst.idx.msk $0xffff, v14  }
0x1b4: {  	s18 =	sor.u32 $0x300, s0;
	s19 =	sor.u32 $0x20, s6;
	s3 =	sor.u32 s2, s7;
	v9 =	vld [tilespmem:s9+$0x0]  }
0x1b5: {  	s30 =	sor.u32 $0x280, s29;
	s9 =	sor.u32 $0x300, s1;
	v14 =	vld [tilespmem:s3+$0x0];
	s3 =	sor.u32 s19, s7;
	[tilespmem:v16+s17+$0x0] =	vst.idx.msk $0xffff, v15  }
0x1b6: {  	s0 =	sor.u32 $0x380, s0;
	s1 =	sor.u32 $0x380, s1;
	s7 =	sor.u32 $0x300, s31;
	v16 =	vor.u32 $0x280, v1;
	[tilespmem:v20+s17+$0x0] =	vst.idx.msk $0xffff, v19;
	v15 =	vld [tilespmem:s30+$0x6C00]  }
0x1b7: {  	s25 =	sadd.s32 $0x200, s25;
	s30 =	sor.u32 $0x380, s31;
	v17 =	vld [tilespmem:s3+$0x0];
	[tilespmem:v11+s17+$0x0] =	vst.idx.msk $0xffff, v12  }
0x1b8: {  	s3 =	sand.u32 $0x7C00, s25;
	v11 =	vand.u32 $0x7F, v21;
	v12 =	vshll.u32 v21, $0x3;
	v18 =	vld [tilespmem:s8+$0x6C00];
	[tilespmem:v10+s17+$0x0] =	vst.idx.msk $0xffff, v13  }
0x1b9: {  	s3 =	sadd.s32 $0x6C00, s3;
	v10 =	vand.u32 $0xFFFFFC00, v12;
	v13 =	vor.u32 $0x280, v2;
	v12 =	vshll.u32 v9, $0x3;
	v19 =	vld [tilespmem:s10+$0x6C00]  }
0x1ba: {  	s6 =	sor.u32 s6, s3;
	s31 =	sor.u32 s2, s3;
	s10 =	sor.u32 s12, s3;
	v9 =	vand.u32 $0x7F, v9;
	v20 =	vshll.u32 v14, $0x3;
	v12 =	vand.u32 $0xFFFFFC00, v12;
	v21 =	vld [tilespmem:s11+$0x6C00]  }
0x1bb: {  	s8 =	sor.u32 s19, s3;
	s2 =	sor.u32 $0x300, s29;
	v14 =	vand.u32 $0x7F, v14;
	v20 =	vand.u32 $0xFFFFFC00, v20;
	v22 =	vld [tilespmem:s10+$0x0];
	v9 =	vor.u32 v9, v12;
	[tilespmem:v16+s17+$0x0] =	vst.idx.msk $0xffff, v15  }
0x1bc: {  	v12 =	vand.u32 $0x7F, v17;
	v15 =	vshll.u32 v17, $0x3;
	v16 =	vld [tilespmem:s2+$0x6C00];
	v17 =	vor.u32 $0x300, v1  }
0x1bd: {  	v24 =	vor.u32 v11, v10;
	v14 =	vor.u32 v14, v20;
	v23 =	vld [tilespmem:s6+$0x0];
	v10 =	vand.u32 $0xFFFFFC00, v15;
	[tilespmem:v8+s17+$0x0] =	vst.idx.msk $0xffff, v18  }
0x1be: {  	v18 =	vor.u32 $0x80, v14;
	v25 =	vor.u32 $0x100, v14;
	v15 =	vld [tilespmem:s31+$0x0];
	v20 =	vor.u32 v12, v10;
	[tilespmem:v7+s17+$0x0] =	vst.idx.msk $0xffff, v19  }
0x1bf: {  	v12 =	vor.u32 $0x180, v14;
	v19 =	vld [tilespmem:s8+$0x0];
	v26 =	vor.u32 $0x80, v20;
	v27 =	vor.u32 $0x100, v20;
	[tilespmem:v13+s17+$0x0] =	vst.idx.msk $0xffff, v21  }
0x1c0: {  	v11 =	vor.u32 $0x200, v14;
	v13 =	vor.u32 $0x180, v20;
	v10 =	vor.u32 $0x200, v20;
	[tilespmem:v9+s17+$0x0] =	vst.idx.msk $0xffff, v22;
	v21 =	vld [tilespmem:s18+$0x6C00]  }
0x1c1: {  	v28 =	vor.u32 $0x80, v9;
	s2 =	sor.u32 $0x380, s29;
	v8 =	vor.u32 $0x280, v14;
	v7 =	vor.u32 $0x280, v20;
	v22 =	vld [tilespmem:s10+$0x80];
	[tilespmem:v17+s17+$0x0] =	vst.idx.msk $0xffff, v16  }
0x1c2: {  	v29 =	vor.u32 $0x380, v1;
	v1 =	vmovc v9;
	v16 =	vor.u32 $0x300, v14;
	v17 =	vor.u32 $0x300, v20;
	[tilespmem:v24+s17+$0x0] =	vst.idx.msk $0xffff, v23;
	v23 =	vld [tilespmem:s2+$0x6C00]  }
0x1c3: {  	v30 =	vor.u32 $0x80, v24;
	v31 =	vor.u32 $0x380, v20;
	v9 =	vld [tilespmem:s6+$0x80];
	[tilespmem:v14+s17+$0x0] =	vst.idx.msk $0xffff, v15;
	v14 =	vor.u32 $0x380, v14  }
0x1c4: {  	v15 =	vld [tilespmem:s31+$0x80];
	[tilespmem:v20+s17+$0x0] =	vst.idx.msk $0xffff, v19  }
0x1c5: {  	v19 =	vld [tilespmem:s8+$0x80];
	[tilespmem:v5+s17+$0x0] =	vst.idx.msk $0xffff, v21;
	v5 =	vmov v16  }
0x1c6: {  	[tilespmem:v28+s17+$0x0] =	vst.idx.msk $0xffff, v22;
	v16 =	vld [tilespmem:s9+$0x6C00]  }
0x1c7: {  	v21 =	vor.u32 $0x300, v2;
	v20 =	vld [tilespmem:s7+$0x6C00];
	[tilespmem:v29+s17+$0x0] =	vst.idx.msk $0xffff, v23  }
0x1c8: {  	v22 =	vor.u32 $0x100, v1;
	[tilespmem:v30+s17+$0x0] =	vst.idx.msk $0xffff, v9;
	v9 =	vld [tilespmem:s10+$0x100]  }
0x1c9: {  	v28 =	vor.u32 $0x100, v24;
	v23 =	vld [tilespmem:s6+$0x100];
	[tilespmem:v18+s17+$0x0] =	vst.idx.msk $0xffff, v15  }
0x1ca: {  	v18 =	vld [tilespmem:s31+$0x100];
	[tilespmem:v26+s17+$0x0] =	vst.idx.msk $0xffff, v19  }
0x1cb: {  	v26 =	vld [tilespmem:s8+$0x100];
	[tilespmem:v6+s17+$0x0] =	vst.idx.msk $0xffff, v16;
	v6 =	vmov v17  }
0x1cc: {  	[tilespmem:v21+s17+$0x0] =	vst.idx.msk $0xffff, v20;
	v21 =	vld [tilespmem:s0+$0x6C00]  }
0x1cd: {  	[tilespmem:v22+s17+$0x0] =	vst.idx.msk $0xffff, v9;
	v22 =	vld [tilespmem:s1+$0x6C00]  }
.Ltmp8:
0x1ce: {  	p0 =	por !p0, !p0;
	v20 =	vor.u32 $0x180, v1;
	s0 =	simm.s32 $0x1;
	[tilespmem:v28+s17+$0x0] =	vst.idx.msk $0xffff, v23;
	v15 =	vld [tilespmem:s10+$0x180];
	(pc) =	sbr.rel @p1 .LBB2_13-.Ltmp8, $4  }
0x1cf: {  	v19 =	vor.u32 $0x180, v24;
	s0 =	simm.s32 @!p0 $0x0;
	v16 =	vld [tilespmem:s6+$0x180];
	[tilespmem:v25+s17+$0x0] =	vst.idx.msk $0xffff, v18  }
0x1d0: {  	s0 =	sshll.u32 s0, $0x6;
	v17 =	vld [tilespmem:s31+$0x180];
	[tilespmem:v27+s17+$0x0] =	vst.idx.msk $0xffff, v26  }
0x1d1: {  	s28 =	sadd.s32 $0x40, s28;
	s31 =	sadd.s32 s0, s25;
	v18 =	vld [tilespmem:s8+$0x180];
	[tilespmem:v3+s17+$0x0] =	vst.idx.msk $0xffff, v21;
	v3 =	vmov v14  }
0x1d2: {  	v9 =	vor.u32 $0x380, v2;
	v2 =	vmov v24;
	s0 =	sadd.s32 $0x10, s31;
	s1 =	sadd.s32 $0x20, s31;
	s29 =	sadd.s32 $0x30, s31;
	v14 =	vld [tilespmem:s30+$0x6C00];
	[tilespmem:v4+s17+$0x0] =	vst.idx.msk $0xffff, v22;
	v4 =	vmov v31  }
0x1d3: {  	_ =	sdelay $0x3  }
0x1d4: {  	[tilespmem:v20+s17+$0x0] =	vst.idx.msk $0xffff, v15;
	s2 =	sor.u32 $0x200, s29  }
0x1d5: {  	v52 =	vor.u32 $0x200, v1;
	s9 =	sor.u32 $0x200, s31;
	v15 =	vld [tilespmem:s2+$0x6C00];
	[tilespmem:v19+s17+$0x0] =	vst.idx.msk $0xffff, v16  }
0x1d6: {  	s3 =	sor.u32 $0x200, s0;
	v53 =	vor.u32 $0x200, v2;
	[tilespmem:v12+s17+$0x0] =	vst.idx.msk $0xffff, v17;
	v16 =	vld [tilespmem:s9+$0x6C00]  }
0x1d7: {  	s8 =	sor.u32 $0x200, s1;
	v12 =	vld [tilespmem:s3+$0x6C00];
	[tilespmem:v13+s17+$0x0] =	vst.idx.msk $0xffff, v18  }
0x1d8: {  	v13 =	vld [tilespmem:s8+$0x6C00];
	_ =	sdelay $0x1  }
0x1d9: {  	s10 =	sor.u32 $0x280, s29;
	[tilespmem:v52+s17+$0x0] =	vst.idx.msk $0xffff, v15  }
0x1da: {  	v54 =	vor.u32 $0x280, v1;
	s18 =	sor.u32 $0x280, s31;
	v15 =	vld [tilespmem:s10+$0x6C00];
	[tilespmem:v53+s17+$0x0] =	vst.idx.msk $0xffff, v16  }
0x1db: {  	s11 =	sor.u32 $0x280, s0;
	v55 =	vor.u32 $0x280, v2;
	[tilespmem:v11+s17+$0x0] =	vst.idx.msk $0xffff, v12;
	v56 =	vld [tilespmem:s18+$0x6C00]  }
0x1dc: {  	s12 =	sor.u32 $0x280, s1;
	v11 =	vld [tilespmem:s11+$0x6C00];
	[tilespmem:v10+s17+$0x0] =	vst.idx.msk $0xffff, v13  }
0x1dd: {  	v10 =	vld [tilespmem:s12+$0x6C00];
	_ =	sdelay $0x1  }
0x1de: {  	s19 =	sor.u32 $0x300, s29;
	[tilespmem:v54+s17+$0x0] =	vst.idx.msk $0xffff, v15  }
0x1df: {  	v57 =	vor.u32 $0x300, v1;
	s26 =	sor.u32 $0x300, s31;
	v15 =	vld [tilespmem:s19+$0x6C00];
	[tilespmem:v55+s17+$0x0] =	vst.idx.msk $0xffff, v56  }
0x1e0: {  	s24 =	sor.u32 $0x300, s0;
	v61 =	vor.u32 $0x300, v2;
	[tilespmem:v8+s17+$0x0] =	vst.idx.msk $0xffff, v11;
	v60 =	vld [tilespmem:s26+$0x6C00]  }
0x1e1: {  	s25 =	sor.u32 $0x300, s1;
	[tilespmem:v7+s17+$0x0] =	vst.idx.msk $0xffff, v10;
	v58 =	vld [tilespmem:s24+$0x6C00]  }
0x1e2: {  	v59 =	vld [tilespmem:s25+$0x6C00];
	_ =	sdelay $0x1  }
0x1e3: {  	s28 =	sor.u32 $0x380, s29;
	[tilespmem:v57+s17+$0x0] =	vst.idx.msk $0xffff, v15  }
0x1e4: {  	v1 =	vor.u32 $0x380, v1;
	s31 =	sor.u32 $0x380, s31;
	v62 =	vld [tilespmem:s28+$0x6C00];
	[tilespmem:v61+s17+$0x0] =	vst.idx.msk $0xffff, v60  }
0x1e5: {  	s29 =	sor.u32 $0x380, s0;
	v2 =	vor.u32 $0x380, v2;
	[tilespmem:v5+s17+$0x0] =	vst.idx.msk $0xffff, v58;
	v63 =	vld [tilespmem:s31+$0x6C00]  }
0x1e6: {  	s30 =	sor.u32 $0x380, s1;
	[tilespmem:v6+s17+$0x0] =	vst.idx.msk $0xffff, v59;
	v5 =	vld [tilespmem:s29+$0x6C00]  }
0x1e7: {  	v6 =	vld [tilespmem:s30+$0x6C00]  }
0x1e8: {  	[tilespmem:v9+s17+$0x0] =	vst.idx.msk $0xffff, v14  }
0x1e9: {  	[tilespmem:v1+s17+$0x0] =	vst.idx.msk $0xffff, v62  }
0x1ea: {  	[tilespmem:v2+s17+$0x0] =	vst.idx.msk $0xffff, v63  }
0x1eb: {  	[tilespmem:v3+s17+$0x0] =	vst.idx.msk $0xffff, v5  }
0x1ec: {  	s0 =	simm.s32 $0x2E00;
	s1 =	simm.s32 $0x5C00;
	s6 =	simm.s32 $0x5C00;
	[tilespmem:v4+s17+$0x0] =	vst.idx.msk $0xffff, v6  }
.LBB2_15:
0x1ed: {  	s2 =	sshra.s32 s0, $0x2  }
0x1ee: {  	v1 =	vld [tilespmem:s2+$0x0];
	_ =	sdelay $0x4  }
0x1ef: {  	s3 =	sand.u32 $0x3FFFFC00, s1;
	v2 =	vshll.u32 v1, $0x3  }
0x1f0: {  	s2 =	sadd.s32 s2, s3;
	v1 =	vand.u32 $0x7F, v1;
	v2 =	vand.u32 $0xFFFFFC00, v2  }
0x1f1: {  	v3 =	vld [tilespmem:s2+$0x6080];
	v1 =	vor.u32 v1, v2;
	_ =	sdelay $0x4  }
0x1f2: {  	[tilespmem:v1+s17+$0x0] =	vst.idx.msk $0xffff, v3  }
0x1f3: {  	v3 =	vor.u32 $0x80, v1;
	v2 =	vld [tilespmem:s2+$0x6100];
	_ =	sdelay $0x4  }
0x1f4: {  	[tilespmem:v3+s17+$0x0] =	vst.idx.msk $0xffff, v2  }
0x1f5: {  	v3 =	vor.u32 $0x100, v1;
	v2 =	vld [tilespmem:s2+$0x6180];
	_ =	sdelay $0x4  }
0x1f6: {  	[tilespmem:v3+s17+$0x0] =	vst.idx.msk $0xffff, v2  }
0x1f7: {  	v3 =	vor.u32 $0x180, v1;
	v2 =	vld [tilespmem:s2+$0x6200];
	_ =	sdelay $0x4  }
0x1f8: {  	[tilespmem:v3+s17+$0x0] =	vst.idx.msk $0xffff, v2  }
0x1f9: {  	v3 =	vor.u32 $0x200, v1;
	v2 =	vld [tilespmem:s2+$0x6280];
	_ =	sdelay $0x4  }
0x1fa: {  	[tilespmem:v3+s17+$0x0] =	vst.idx.msk $0xffff, v2  }
0x1fb: {  	v3 =	vor.u32 $0x280, v1;
	v2 =	vld [tilespmem:s2+$0x6300];
	_ =	sdelay $0x4  }
0x1fc: {  	[tilespmem:v3+s17+$0x0] =	vst.idx.msk $0xffff, v2  }
0x1fd: {  	v3 =	vor.u32 $0x300, v1;
	v2 =	vld [tilespmem:s2+$0x6380];
	_ =	sdelay $0x4  }
0x1fe: {  	s31 =	sor.u32 $0x380, s6;
	[tilespmem:v3+s17+$0x0] =	vst.idx.msk $0xffff, v2  }
0x1ff: {  	p0 =	sne.s32 s0, $0x2E80;
	v1 =	vor.u32 $0x380, v1;
	v2 =	vld [tilespmem:s31+$0x6C00]  }
.Ltmp9:
0x200: {  	_ = 	snop;
	(pc) =	sbr.rel @p0 .LBB2_15-.Ltmp9, $2  }
0x201: {  	_ =	sdelay $0x2  }
0x202: {  	s6 =	sadd.s32 $0x90, s6;
	s1 =	sadd.s32 $0x80, s1;
	s0 =	sadd.s32 $0x40, s0;
	[tilespmem:v1+s17+$0x0] =	vst.idx.msk $0xffff, v2  }
0x203: {  	v1 =	vld [tilespmem:$0xBA8];
	_ =	sdelay $0x4  }
0x204: {  	v2 =	vshll.u32 v1, $0x3  }
0x205: {  	v1 =	vand.u32 $0x7F, v1;
	v2 =	vand.u32 $0xFFFFFC00, v2  }
0x206: {  	v3 =	vld [tilespmem:$0xC828];
	v1 =	vor.u32 v1, v2;
	_ =	sdelay $0x4  }
0x207: {  	[tilespmem:v1+s17+$0x0] =	vst.idx.msk vm0, v3  }
0x208: {  	v3 =	vor.u32 $0x80, v1;
	v2 =	vld [tilespmem:$0xC8A8];
	_ =	sdelay $0x4  }
0x209: {  	[tilespmem:v3+s17+$0x0] =	vst.idx.msk vm0, v2  }
0x20a: {  	v3 =	vor.u32 $0x100, v1;
	v2 =	vld [tilespmem:$0xC928];
	_ =	sdelay $0x4  }
0x20b: {  	[tilespmem:v3+s17+$0x0] =	vst.idx.msk vm0, v2  }
0x20c: {  	v3 =	vor.u32 $0x180, v1;
	v2 =	vld [tilespmem:$0xC9A8];
	_ =	sdelay $0x4  }
0x20d: {  	[tilespmem:v3+s17+$0x0] =	vst.idx.msk vm0, v2  }
0x20e: {  	v3 =	vor.u32 $0x200, v1;
	v2 =	vld [tilespmem:$0xCA28];
	_ =	sdelay $0x4  }
0x20f: {  	[tilespmem:v3+s17+$0x0] =	vst.idx.msk vm0, v2  }
0x210: {  	v3 =	vor.u32 $0x280, v1;
	v2 =	vld [tilespmem:$0xCAA8];
	_ =	sdelay $0x4  }
0x211: {  	[tilespmem:v3+s17+$0x0] =	vst.idx.msk vm0, v2  }
0x212: {  	v3 =	vor.u32 $0x300, v1;
	v2 =	vld [tilespmem:$0xCB28];
	_ =	sdelay $0x4  }
0x213: {  	[tilespmem:v3+s17+$0x0] =	vst.idx.msk vm0, v2  }
0x214: {  	v1 =	vor.u32 $0x380, v1;
	v2 =	vld [tilespmem:$0xCBA8]  }
0x215: {  	p0 =	seq.s32 s21, $0x1F  }
.Ltmp10:
0x216: {  	_ = 	snop;
	(pc) =	sbr.rel @p0 .LBB2_18-.Ltmp10, $4  }
0x217: {  	s0 =	rddreg [dreg:$0x1]  }
0x218: {  	s0 =	sadd.s32 s23, s0  }
0x219: {  	s0 =	sadd.s32 $0x1000, s0;
	[tilespmem:v1+s17+$0x0] =	vst.idx.msk vm0, v2  }
0x21a: {  	[hbm4b:s0+s4] =	stream.linear.scatter [tilespmem:s17], [sflag:$0x4], $0x8000, $0x38;
	[tilespmem:$0x1CC00] =	vst v63  }
0x21b: {  	s0 =	sadd.s32 $0x18, s22  }
.Ltmp11:
0x21c: {  	s0 =	sshrl.u32 s0, $0x3;
	(pc) =	sbr.rel .LBB2_4-.Ltmp11, $3  }
0x21d: {  	s0 =	smul.u32 $0xC00, s0;
	_ =	sdelay $0x1  }
0x21e: {  	s1 =	simm.s32 $0x6C00;
	s21 =	sadd.s32 $0x1, s21;
	s0 =	sadd.s32 s5, s0  }
0x21f: {  	[tilespmem:s1], [sflag:$0x2] =	stream.linear.gather [hbm4b:s0+s4], $0x6000, $0x38;
	[tilespmem:$0x1CC00] =	vst v63  }
.LBB2_19:
0x220: {  	_ =	sfence.sel $0x180000  }
0x221: {  	[bflag:$0x0] =	sbarrier.arrive $0xFFFF  }
0x222: {  	_ =	strace $0x90000047  }
0x223: {  	s0 =	stileid.u32;
	[bflag:$0x2] =	sbarrier.arrive $0xFFFF  }
0x224: {  	p0 =	sne.s32 s0, $0x0;
	s0 =	rddreg [dreg:$0x2]  }
0x225: {  	s0 =	sadd.s32 @!p0 $0x100000, s0  }
0x226: {  	[sflag:s0] =	ssyncadd.tile.s32 @!p0 $0x1;
	_ =	shalt  }
.Lfunc_end2:
_tile_overlayer_lowered:
.L_overlay_start_2:
0x227: {  	(tag) =	ssettag $0x2  }
0x228: {  	s0 =	rddreg [dreg:$0x0];
	s2 =	stileid.u32  }
0x229: {  	s1 =	rddreg [dreg:$0x1];
	p0 =	sne.s32 s2, $0x0  }
0x22a: {  	s3 =	rddreg [dreg:$0x2];
	[bflag:$0x3] =	sbarrier.arrive $0xFFFF;
	s2 =	simm.s32 @!p0 $0x1C05  }
0x22b: {  	[timem:s3], [sflag:s2] =	dma.local @!p0 [hbm:s0], s1  }
0x22c: {  	s0 =	simm.s32 @!p0 $0x5  }
0x22d: {  	_ =	swait.ge @!p0 [sflag:s0], s1  }
0x22e: {  	s1 =	ssub.s32 @!p0 $0x0, s1;
	[sflag:s0] =	ssyncset.done @!p0 $0x0  }
0x22f: {  	[sflag:s0] =	ssyncadd.s32 @!p0 s1  }
0x230: {  	[bflag:$0x3] =	sbarrier.arrive $0xFFFF  }
0x231: {  	_ =	shalt  }

</sc_bundles>
